<compile_context>
chip_gen: v7x
topology: tpu7x:2x2x1
jax: 0.10.2.dev20260603
libtpu: 0.0.44.dev20260713+nightly
codegen_flags: <defaults>
</compile_context>

<pallas_src>
import functools

import jax
import jax.numpy as jnp
from jax import lax
from jax.experimental import pallas as pl
from jax.experimental.pallas import tpu as pltpu
from jax.experimental.pallas import tpu_sc as plsc

_B, _N1 = 8, 4096
_S1, _K1, _R1 = 2048, 32, 0.0025
_S2, _K2, _R2 = 256, 16, 0.005
_CO1 = 128
_CO2, _CO2P = 693, 704
_D1 = 16
_D2 = 144
_EPS = 1e-5



def _fps(xs, ys, zs, n, npoint):
    b = xs.shape[0]

    def body(xs_ref, ys_ref, zs_ref, xo_ref, yo_ref, zo_ref, dist_ref):
        dist_ref[...] = jnp.full((b, n), 1e10, jnp.float32)
        iota = lax.broadcasted_iota(jnp.int32, (b, n), 1)
        lane = lax.broadcasted_iota(jnp.int32, (b, 128), 1)
        xsv = xs_ref[...]
        ysv = ys_ref[...]
        zsv = zs_ref[...]

        def outer(g, carry):
            def step(j, bufs):
                bx, by, bz = bufs
                dist = dist_ref[...]
                m = jnp.max(dist, axis=1, keepdims=True)
                idx = jnp.min(jnp.where(dist == m, iota, n), axis=1,
                              keepdims=True)
                sel = iota == idx
                cx = jnp.sum(jnp.where(sel, xsv, 0.0), axis=1, keepdims=True)
                cy = jnp.sum(jnp.where(sel, ysv, 0.0), axis=1, keepdims=True)
                cz = jnp.sum(jnp.where(sel, zsv, 0.0), axis=1, keepdims=True)
                dx = xsv - cx
                dy = ysv - cy
                dz = zsv - cz
                d = dx * dx + dy * dy + dz * dz
                dist_ref[...] = jnp.minimum(dist, d)
                sel128 = lane == j
                return (jnp.where(sel128, cx, bx),
                        jnp.where(sel128, cy, by),
                        jnp.where(sel128, cz, bz))

            z = jnp.zeros((b, 128), jnp.float32)
            bx, by, bz = lax.fori_loop(0, 128, step, (z, z, z))
            col = pl.multiple_of(g * 128, 128)
            xo_ref[:, pl.ds(col, 128)] = bx
            yo_ref[:, pl.ds(col, 128)] = by
            zo_ref[:, pl.ds(col, 128)] = bz
            return carry

        lax.fori_loop(0, npoint // 128, outer, 0)

    out = jax.ShapeDtypeStruct((b, npoint), jnp.float32)
    return pl.pallas_call(
        body,
        out_shape=(out, out, out),
        scratch_shapes=[pltpu.VMEM((b, n), jnp.float32)],
    )(xs, ys, zs)




def _ball_query(xt8, nxq8, n, s, sblk, nsample, r2, stride):
    def body(xt_ref, nx_ref, out_ref):
        big = jnp.int32(n)
        bi = pl.program_id(0)
        nx = nx_ref[0]
        xt = xt_ref[0]
        cross = jnp.dot(nx.astype(jnp.bfloat16), xt.astype(jnp.bfloat16),
                        preferred_element_type=jnp.float32)
        rsq = jnp.sum(nx * nx, axis=1, keepdims=True)
        csq = ((xt[0:1, :] * xt[0:1, :] + xt[1:2, :] * xt[1:2, :])
               + xt[2:3, :] * xt[2:3, :])
        d = (rsq + csq) - 2.0 * cross
        iota = lax.broadcasted_iota(jnp.int32, (sblk, n), 1)
        lane = lax.broadcasted_iota(jnp.int32, (sblk, nsample), 1)
        wbase = jnp.where(d <= r2, iota, big)

        def step(k, carry):
            cur, alive, vals = carry

            def live(c, v):
                w = jnp.where(iota > c, wbase, big)
                cand = jnp.min(w, axis=1, keepdims=True)
                return (cand, jnp.any(cand != big).astype(jnp.int32),
                        jnp.where(lane == k, cand, v))

            return lax.cond(alive != 0, live,
                            lambda c, v: (c, jnp.int32(0), v), cur, vals)

        _, _, vals = lax.fori_loop(
            0, nsample, step,
            (jnp.full((sblk, 1), -1, jnp.int32), jnp.int32(1),
             jnp.full((sblk, nsample), big, jnp.int32)))
        filled = jnp.where(vals == big, vals[:, 0:1], vals)
        out_ref[0] = jnp.minimum(filled, big - 1) + bi * stride

    nb = xt8.shape[0]
    return pl.pallas_call(
        body,
        grid=(nb, s // sblk),
        in_specs=[
            pl.BlockSpec((1, 8, n), lambda bi, si: (bi, 0, 0)),
            pl.BlockSpec((1, sblk, 8), lambda bi, si: (bi, si, 0)),
        ],
        out_specs=pl.BlockSpec((1, sblk, nsample), lambda bi, si: (bi, si, 0)),
        out_shape=jax.ShapeDtypeStruct((nb, s, nsample), jnp.int32),
    )(xt8, nxq8)



_NC, _NS = 2, 16
_NW = _NC * _NS
_LCH = 128


def _sc_gather(table, idx2d, d):
    m = idx2d.shape[0] * _LCH
    n_chunks = m // (_NW * _LCH)
    nbuf = 4
    mesh = plsc.VectorSubcoreMesh(core_axis_name="c", subcore_axis_name="s")

    @functools.partial(
        pl.kernel,
        out_type=jax.ShapeDtypeStruct((m, d), jnp.float32),
        mesh=mesh,
        scratch_types=[
            pltpu.VMEM((n_chunks, _LCH), jnp.int32),
        ] + [pltpu.VMEM((_LCH, d), jnp.float32)] * nbuf
          + [pltpu.SemaphoreType.DMA] * nbuf,
        compiler_params=pltpu.CompilerParams(use_tc_tiling_on_sc=False),
    )
    def k(table_hbm, idx_hbm, out_hbm, idx_v, *bufsem):
        bufs = bufsem[:nbuf]
        sems = bufsem[nbuf:]
        wid = lax.axis_index("s") * _NC + lax.axis_index("c")
        rbase = wid * n_chunks
        obase = wid * n_chunks * _LCH
        pltpu.sync_copy(idx_hbm.at[pl.ds(rbase, n_chunks)], idx_v)
        for q in range(min(nbuf, n_chunks)):
            pltpu.async_copy(table_hbm.at[idx_v.at[q]], bufs[q], sems[q])

        def quad(p, carry):
            g0 = nbuf * p
            for q in range(nbuf):
                pltpu.make_async_copy(table_hbm.at[idx_v.at[g0 + q]],
                                      bufs[q], sems[q]).wait()
                pltpu.sync_copy(
                    bufs[q], out_hbm.at[pl.ds(obase + (g0 + q) * _LCH, _LCH)])

                @pl.when(g0 + q + nbuf < n_chunks)
                def _(q=q):
                    pltpu.async_copy(table_hbm.at[idx_v.at[g0 + q + nbuf]],
                                     bufs[q], sems[q])
            return carry

        lax.fori_loop(0, n_chunks // nbuf, quad, 0)

    return k(table, idx2d)




def _mlp_stats(g, nxpad, wt, bias, sch, kk, d, co):
    nb, s = nxpad.shape[0], nxpad.shape[1]

    def body(g_ref, nx_ref, w_ref, b_ref, out_ref):
        x = (g_ref[0].reshape(sch, kk, d) - nx_ref[0][:, None, :]
             ).reshape(sch * kk, d)
        h = jnp.dot(x, w_ref[...], preferred_element_type=jnp.float32) \
            + b_ref[...]

        @pl.when(jnp.logical_and(pl.program_id(0) == 0,
                                 pl.program_id(1) == 0))
        def _():
            out_ref[...] = jnp.zeros((8, co), jnp.float32)

        sm = jnp.sum(h, axis=0, keepdims=True)
        sq = jnp.sum(h * h, axis=0, keepdims=True)
        acc = jnp.concatenate([sm, sq, jnp.zeros((6, co), jnp.float32)],
                              axis=0)
        out_ref[...] = out_ref[...] + acc

    return pl.pallas_call(
        body,
        grid=(nb, s // sch),
        in_specs=[
            pl.BlockSpec((1, sch * kk, d), lambda bi, si: (bi, si, 0)),
            pl.BlockSpec((1, sch, d), lambda bi, si: (bi, si, 0)),
            pl.BlockSpec((d, co), lambda bi, si: (0, 0)),
            pl.BlockSpec((1, co), lambda bi, si: (0, 0)),
        ],
        out_specs=pl.BlockSpec((8, co), lambda bi, si: (0, 0)),
        out_shape=jax.ShapeDtypeStruct((8, co), jnp.float32),
    )(g, nxpad, wt, bias)


def _mlp_apply(g, nxpad, wt, bias, mean, gr, beta, sch, kk, d, co, dout):
    nb, s = nxpad.shape[0], nxpad.shape[1]

    def body(g_ref, nx_ref, w_ref, b_ref, mu_ref, gr_ref, be_ref, out_ref):
        nx = nx_ref[0]
        x = (g_ref[0].reshape(sch, kk, d) - nx[:, None, :]
             ).reshape(sch * kk, d)
        h = jnp.dot(x, w_ref[...], preferred_element_type=jnp.float32) \
            + b_ref[...]
        y = (h - mu_ref[...]) * gr_ref[...] + be_ref[...]
        y = jnp.maximum(y, 0.0)
        pooled = jnp.max(y.reshape(sch, kk, co), axis=1)
        if dout > co:
            out_ref[0] = jnp.concatenate(
                [nx[:, :3], pooled,
                 jnp.zeros((sch, dout - co - 3), jnp.float32)], axis=1)
        else:
            out_ref[0] = pooled

    return pl.pallas_call(
        body,
        grid=(nb, s // sch),
        in_specs=[
            pl.BlockSpec((1, sch * kk, d), lambda bi, si: (bi, si, 0)),
            pl.BlockSpec((1, sch, d), lambda bi, si: (bi, si, 0)),
            pl.BlockSpec((d, co), lambda bi, si: (0, 0)),
            pl.BlockSpec((1, co), lambda bi, si: (0, 0)),
            pl.BlockSpec((1, co), lambda bi, si: (0, 0)),
            pl.BlockSpec((1, co), lambda bi, si: (0, 0)),
            pl.BlockSpec((1, co), lambda bi, si: (0, 0)),
        ],
        out_specs=pl.BlockSpec((1, sch, dout), lambda bi, si: (bi, si, 0)),
        out_shape=jax.ShapeDtypeStruct((nb, s, dout), jnp.float32),
    )(g, nxpad, wt, bias, mean, gr, beta)




def _pad_cols(a, width):
    return jnp.pad(a, [(0, 0)] * (a.ndim - 1) + [(0, width - a.shape[-1])])


def kernel(xyz, W1, b1, g1, be1, W2, b2, g2, be2):
    ptsT = jnp.transpose(xyz[..., :3], (0, 2, 1))
    xs, ys, zs = ptsT[:, 0], ptsT[:, 1], ptsT[:, 2]

    xo, yo, zo = _fps(xs, ys, zs, _N1, _S1)
    xt8 = jnp.pad(ptsT, ((0, 0), (0, 5), (0, 0)))
    nxq = _pad_cols(jnp.stack([xo, yo, zo], axis=-1), 8)
    gidx1 = _ball_query(xt8, nxq, _N1, _S1, 256, _K1, _R1 * _R1, _N1)

    table1 = _pad_cols(xyz, _D1).reshape(_B * _N1, _D1)
    rows1 = _sc_gather(table1, gidx1.reshape(-1, _LCH), _D1)

    xo2, yo2, zo2 = _fps(xo, yo, zo, _S1, _S2)
    xt8b = jnp.pad(jnp.stack([xo, yo, zo], axis=1), ((0, 0), (0, 5), (0, 0)))
    nxq2 = _pad_cols(jnp.stack([xo2, yo2, zo2], axis=-1), 8)
    gidx2 = _ball_query(xt8b, nxq2, _S1, _S2, 256, _K2, _R2 * _R2, _S1)

    g1rows = rows1.reshape(_B, _S1 * _K1, _D1)
    nxpad1 = _pad_cols(jnp.stack([xo, yo, zo], axis=-1), _D1)

    w1t = _pad_cols(W1, _D1).T
    b1r = b1.reshape(1, _CO1)
    cnt1 = float(_B * _S1 * _K1)
    st1 = _mlp_stats(g1rows, nxpad1, w1t, b1r, 256, _K1, _D1, _CO1)
    mean1 = (st1[0] / cnt1).reshape(1, _CO1)
    var1 = st1[1] / cnt1 - mean1[0] * mean1[0]
    gr1 = (g1 / jnp.sqrt(var1 + _EPS)).reshape(1, _CO1)
    table2 = _mlp_apply(g1rows, nxpad1, w1t, b1r, mean1, gr1,
                        be1.reshape(1, _CO1), 256, _K1, _D1, _CO1, _D2)

    rows2 = _sc_gather(table2.reshape(_B * _S1, _D2),
                       gidx2.reshape(-1, _LCH), _D2)
    g2rows = rows2.reshape(_B, _S2 * _K2, _D2)
    nxpad2 = _pad_cols(jnp.stack([xo2, yo2, zo2], axis=-1), _D2)

    w2t = jnp.pad(W2.T, ((0, _D2 - W2.shape[1]), (0, _CO2P - W2.shape[0])))
    b2r = _pad_cols(b2.reshape(1, _CO2), _CO2P)
    cnt2 = float(_B * _S2 * _K2)
    st2 = _mlp_stats(g2rows, nxpad2, w2t, b2r, _S2, _K2, _D2, _CO2P)
    mean2 = (st2[0] / cnt2).reshape(1, _CO2P)
    var2 = st2[1] / cnt2 - mean2[0] * mean2[0]
    gr2 = (_pad_cols(g2, _CO2P) / jnp.sqrt(var2 + _EPS)).reshape(1, _CO2P)
    pooled2 = _mlp_apply(g2rows, nxpad2, w2t, b2r, mean2, gr2,
                         _pad_cols(be2, _CO2P).reshape(1, _CO2P),
                         _S2, _K2, _D2, _CO2P, _CO2P)

    l2_xyz = jnp.stack([xo2, yo2, zo2], axis=-1)
    return (l2_xyz, pooled2[..., :_CO2])

# --- scband reference (transcript-rebuilt; emitter-appended) ---
"""Pipeline reference for scband-pointnet2-19439021982076 (READ-ONLY COPY).

The authoritative reference and input builder live on the scoring server;
editing this copy changes nothing except your own understanding.
"""

import jax, jax.numpy as jnp
import numpy as np

B, N = 8, 4096
NPOINT1, NSAMPLE1, R1 = 2048, 32, 0.0025
NPOINT2, NSAMPLE2, R2 = 256, 16, 0.005
C1_IN, C1_OUT = 6, 128
C2_IN, C2_OUT = 131, 693
EPS = 1e-5


def setup_inputs(seed: int = 0):
    key = jax.random.key(seed)
    ks = jax.random.split(key, 8)
    xyz = jax.random.uniform(ks[0], (B, N, 6), dtype=jnp.float32)
    W1 = jax.random.normal(ks[1], (C1_OUT, C1_IN), dtype=jnp.float32) * 0.1
    b1 = jax.random.normal(ks[2], (C1_OUT,), dtype=jnp.float32) * 0.01
    g1 = jnp.ones((C1_OUT,), jnp.float32)
    be1 = jnp.zeros((C1_OUT,), jnp.float32)
    W2 = jax.random.normal(ks[3], (C2_OUT, C2_IN), dtype=jnp.float32) * 0.05
    b2 = jax.random.normal(ks[4], (C2_OUT,), dtype=jnp.float32) * 0.01
    g2 = jnp.ones((C2_OUT,), jnp.float32)
    be2 = jnp.zeros((C2_OUT,), jnp.float32)
    return {'xyz': xyz, 'W1': W1, 'b1': b1, 'g1': g1, 'be1': be1, 'W2': W2, 'b2': b2, 'g2': g2, 'be2': be2}


def square_distance(src, dst):
    return jnp.sum(src ** 2, -1)[:, :, None] + jnp.sum(dst ** 2, -1)[:, None, :] - 2.0 * jnp.matmul(src, jnp.swapaxes(dst, 1, 2))


def index_points(points, idx):
    return jax.vmap(lambda p, i: p[i])(points, idx)


def farthest_point_sample(xyz, npoint):
    b, n, _ = xyz.shape
    def body(i, carry):
        distance, farthest, centroids = carry
        centroids = centroids.at[:, i].set(farthest)
        centroid = index_points(xyz, farthest[:, None])
        dist = jnp.sum((xyz - centroid) ** 2, -1)
        distance = jnp.minimum(distance, dist)
        farthest = jnp.argmax(distance, axis=-1).astype(jnp.int32)
        return (distance, farthest, centroids)
    init = (jnp.full((b, n), 1e10, dtype=jnp.float32), jnp.zeros((b,), jnp.int32), jnp.zeros((b, npoint), jnp.int32))
    _, _, centroids = jax.lax.fori_loop(0, npoint, body, init)
    return centroids


def query_ball_point(radius, nsample, xyz, new_xyz):
    b, n, _ = xyz.shape
    s = new_xyz.shape[1]
    sqrdists = square_distance(new_xyz, xyz)
    group_idx = jnp.broadcast_to(jnp.arange(n, dtype=jnp.int32), (b, s, n))
    group_idx = jnp.where(sqrdists > radius ** 2, jnp.int32(n), group_idx)
    group_idx = jnp.sort(group_idx, axis=-1)[:, :, :nsample]
    group_first = jnp.broadcast_to(group_idx[:, :, :1], group_idx.shape)
    group_idx = jnp.where(group_idx == n, group_first, group_idx)
    return group_idx


def set_abstraction(xyz, points, npoint, radius, nsample, W, b, g, be):
    fps_idx = farthest_point_sample(jax.lax.stop_gradient(xyz), npoint)
    new_xyz = index_points(xyz, fps_idx)
    idx = query_ball_point(radius, nsample, jax.lax.stop_gradient(xyz), jax.lax.stop_gradient(new_xyz))
    grouped_xyz = index_points(xyz, idx)
    grouped_xyz_norm = grouped_xyz - new_xyz[:, :, None, :]
    grouped_points = index_points(points, idx)
    new_points = jnp.concatenate([grouped_xyz_norm, grouped_points], axis=-1)
    h = jnp.einsum('bskc,oc->bsko', new_points, W) + b
    mean = jnp.mean(h, axis=(0, 1, 2))
    var = jnp.var(h, axis=(0, 1, 2))
    h = g * (h - mean) / jnp.sqrt(var + EPS) + be
    h = jax.nn.relu(h)
    return new_xyz, jnp.max(h, axis=2)


def reference(xyz, W1, b1, g1, be1, W2, b2, g2, be2):
    pts = xyz[:, :, :3]
    nrm = xyz[:, :, 3:]
    l1_xyz, l1_points = set_abstraction(pts, nrm, NPOINT1, R1, NSAMPLE1, W1, b1, g1, be1)
    l2_xyz, l2_points = set_abstraction(l1_xyz, l1_points, NPOINT2, R2, NSAMPLE2, W2, b2, g2, be2)
    return (l2_xyz, l2_points)

if __name__ == "__main__":
    import jax
    _d = setup_inputs()
    print(jax.jit(kernel)(*tuple(_d.values())))

</pallas_src>

<mosaic_0001>
#map = affine_map<(d0, d1) -> (0, 0)>
module attributes {stable_mosaic.version = 14 : i64} {
  func.func @k(%arg0: i32, %arg1: i32, %arg2: memref<16384x144xf32, #tpu.memory_space<hbm>>, %arg3: memref<256x128xi32, #tpu.memory_space<hbm>>, %arg4: memref<32768x144xf32, #tpu.memory_space<hbm>>, %arg5: memref<8x128xi32, #tpu.memory_space<vmem>>, %arg6: memref<128x144xf32, #tpu.memory_space<vmem>>, %arg7: memref<128x144xf32, #tpu.memory_space<vmem>>, %arg8: memref<128x144xf32, #tpu.memory_space<vmem>>, %arg9: memref<128x144xf32, #tpu.memory_space<vmem>>, %arg10: memref<!tpu.dma_semaphore, #tpu.memory_space<semaphore_mem>>, %arg11: memref<!tpu.dma_semaphore, #tpu.memory_space<semaphore_mem>>, %arg12: memref<!tpu.dma_semaphore, #tpu.memory_space<semaphore_mem>>, %arg13: memref<!tpu.dma_semaphore, #tpu.memory_space<semaphore_mem>>) attributes {dimension_semantics = [#tpu.dimension_semantics<core_parallel>, #tpu.dimension_semantics<subcore_parallel>], iteration_bounds = array<i64: 2, 16>, scalar_prefetch = 0 : i64, scratch_operands = 9 : i64, tpu.core_type = #tpu.core_type<sc_vector_subcore>, window_params = [{transform_indices = #map}, {transform_indices = #map}, {transform_indices = #map}]} {
    %mul3A = arith.constant 2 : i32
    %mul3A_0 = arith.muli %arg1, %mul3A : i32
    %add3A = arith.addi %mul3A_0, %arg0 : i32
    %mul3A_1 = arith.constant 8 : i32
    %mul3A_2 = arith.muli %add3A, %mul3A_1 : i32
    %mul3A_3 = arith.constant 8 : i32
    %mul3A_4 = arith.muli %add3A, %mul3A_3 : i32
    %mul3A_5 = arith.constant 128 : i32
    %mul3A_6 = arith.muli %mul3A_4, %mul3A_5 : i32
    "tpu.region"() ({
      %run_scoped3A = tpu.sem_alloc : memref<!tpu.dma_semaphore, #tpu.memory_space<semaphore_mem>>
      %dma_start3A_39 = arith.constant 0 : i32
      %dma_start3A_40 = tpu.memref_slice %arg3[%mul3A_2, %dma_start3A_39] : memref<256x128xi32, #tpu.memory_space<hbm>> -> memref<8x128xi32, #tpu.memory_space<hbm>>
      %dma_start3A_41 = arith.constant 0 : i32
      %dma_start3A_42 = tpu.memref_slice %arg3[%mul3A_2, %dma_start3A_41] : memref<256x128xi32, #tpu.memory_space<hbm>> -> memref<8x128xi32, #tpu.memory_space<hbm>>
      tpu.enqueue_dma source(%dma_start3A_42 : memref<8x128xi32, #tpu.memory_space<hbm>>) target(%arg5 : memref<8x128xi32, #tpu.memory_space<vmem>>) target_semaphore(%run_scoped3A : memref<!tpu.dma_semaphore, #tpu.memory_space<semaphore_mem>>)
      %dma_wait3A = arith.constant 0 : i32
      %dma_wait3A_43 = tpu.memref_slice %arg3[%mul3A_2, %dma_wait3A] : memref<256x128xi32, #tpu.memory_space<hbm>> -> memref<8x128xi32, #tpu.memory_space<hbm>>
      %dma_wait3A_44 = arith.constant 0 : i32
      %dma_wait3A_45 = tpu.memref_slice %arg3[%mul3A_2, %dma_wait3A_44] : memref<256x128xi32, #tpu.memory_space<hbm>> -> memref<8x128xi32, #tpu.memory_space<hbm>>
      tpu.wait_dma2 semaphore(%run_scoped3A : memref<!tpu.dma_semaphore, #tpu.memory_space<semaphore_mem>>) src(%dma_wait3A_45 : memref<8x128xi32, #tpu.memory_space<hbm>>) dst(%arg5 : memref<8x128xi32, #tpu.memory_space<vmem>>)
      tpu.yield
    }) : () -> ()
    %dma_start3A = arith.constant 0 : i32
    %dma_start3A_7 = arith.constant 0 : i32
    %dma_start3A_8 = tpu.memref_slice %arg5[%dma_start3A, %dma_start3A_7] : memref<8x128xi32, #tpu.memory_space<vmem>> -> memref<1x128xi32, #tpu.memory_space<vmem>>
    %dma_start3A_9 = tpu.memref_squeeze %dma_start3A_8 : memref<1x128xi32, #tpu.memory_space<vmem>> -> memref<128xi32, #tpu.memory_space<vmem>>
    %dma_start3A_10 = arith.constant 0 : i32
    %dma_start3A_11 = arith.constant 0 : i32
    %dma_start3A_12 = tpu.memref_slice %arg2[%dma_start3A_10, %dma_start3A_11] : memref<16384x144xf32, #tpu.memory_space<hbm>> -> memref<16384x144xf32, #tpu.memory_space<hbm>>
    tpu.enqueue_indirect_dma source(%dma_start3A_12 : memref<16384x144xf32, #tpu.memory_space<hbm>>) target(%arg6 : memref<128x144xf32, #tpu.memory_space<vmem>>) offsets(%dma_start3A_9 : memref<128xi32, #tpu.memory_space<vmem>>) semaphore(%arg10 : memref<!tpu.dma_semaphore, #tpu.memory_space<semaphore_mem>>)
    %dma_start3A_13 = arith.constant 1 : i32
    %dma_start3A_14 = arith.constant 0 : i32
    %dma_start3A_15 = tpu.memref_slice %arg5[%dma_start3A_13, %dma_start3A_14] : memref<8x128xi32, #tpu.memory_space<vmem>> -> memref<1x128xi32, #tpu.memory_space<vmem>>
    %dma_start3A_16 = tpu.memref_squeeze %dma_start3A_15 : memref<1x128xi32, #tpu.memory_space<vmem>> -> memref<128xi32, #tpu.memory_space<vmem>>
    %dma_start3A_17 = arith.constant 0 : i32
    %dma_start3A_18 = arith.constant 0 : i32
    %dma_start3A_19 = tpu.memref_slice %arg2[%dma_start3A_17, %dma_start3A_18] : memref<16384x144xf32, #tpu.memory_space<hbm>> -> memref<16384x144xf32, #tpu.memory_space<hbm>>
    tpu.enqueue_indirect_dma source(%dma_start3A_19 : memref<16384x144xf32, #tpu.memory_space<hbm>>) target(%arg7 : memref<128x144xf32, #tpu.memory_space<vmem>>) offsets(%dma_start3A_16 : memref<128xi32, #tpu.memory_space<vmem>>) semaphore(%arg11 : memref<!tpu.dma_semaphore, #tpu.memory_space<semaphore_mem>>)
    %dma_start3A_20 = arith.constant 2 : i32
    %dma_start3A_21 = arith.constant 0 : i32
    %dma_start3A_22 = tpu.memref_slice %arg5[%dma_start3A_20, %dma_start3A_21] : memref<8x128xi32, #tpu.memory_space<vmem>> -> memref<1x128xi32, #tpu.memory_space<vmem>>
    %dma_start3A_23 = tpu.memref_squeeze %dma_start3A_22 : memref<1x128xi32, #tpu.memory_space<vmem>> -> memref<128xi32, #tpu.memory_space<vmem>>
    %dma_start3A_24 = arith.constant 0 : i32
    %dma_start3A_25 = arith.constant 0 : i32
    %dma_start3A_26 = tpu.memref_slice %arg2[%dma_start3A_24, %dma_start3A_25] : memref<16384x144xf32, #tpu.memory_space<hbm>> -> memref<16384x144xf32, #tpu.memory_space<hbm>>
    tpu.enqueue_indirect_dma source(%dma_start3A_26 : memref<16384x144xf32, #tpu.memory_space<hbm>>) target(%arg8 : memref<128x144xf32, #tpu.memory_space<vmem>>) offsets(%dma_start3A_23 : memref<128xi32, #tpu.memory_space<vmem>>) semaphore(%arg12 : memref<!tpu.dma_semaphore, #tpu.memory_space<semaphore_mem>>)
    %dma_start3A_27 = arith.constant 3 : i32
    %dma_start3A_28 = arith.constant 0 : i32
    %dma_start3A_29 = tpu.memref_slice %arg5[%dma_start3A_27, %dma_start3A_28] : memref<8x128xi32, #tpu.memory_space<vmem>> -> memref<1x128xi32, #tpu.memory_space<vmem>>
    %dma_start3A_30 = tpu.memref_squeeze %dma_start3A_29 : memref<1x128xi32, #tpu.memory_space<vmem>> -> memref<128xi32, #tpu.memory_space<vmem>>
    %dma_start3A_31 = arith.constant 0 : i32
    %dma_start3A_32 = arith.constant 0 : i32
    %dma_start3A_33 = tpu.memref_slice %arg2[%dma_start3A_31, %dma_start3A_32] : memref<16384x144xf32, #tpu.memory_space<hbm>> -> memref<16384x144xf32, #tpu.memory_space<hbm>>
    tpu.enqueue_indirect_dma source(%dma_start3A_33 : memref<16384x144xf32, #tpu.memory_space<hbm>>) target(%arg9 : memref<128x144xf32, #tpu.memory_space<vmem>>) offsets(%dma_start3A_30 : memref<128xi32, #tpu.memory_space<vmem>>) semaphore(%arg13 : memref<!tpu.dma_semaphore, #tpu.memory_space<semaphore_mem>>)
    %scan3A = arith.constant 0 : i32
    %scan3A_34 = arith.constant 0 : i32
    %scan3A_35 = arith.constant 2 : i32
    %scan3A_36 = arith.addi %scan3A_34, %scan3A_35 : i32
    %scan3A_37 = arith.constant 1 : i32
    scf.for %scan3A_39 = %scan3A_34 to %scan3A_36 step %scan3A_37  : i32 {
      %mul3A_40 = arith.constant 4 : i32
      %mul3A_41 = arith.muli %mul3A_40, %scan3A_39 : i32
      %add3A_42 = arith.constant 0 : i32
      %add3A_43 = arith.addi %mul3A_41, %add3A_42 : i32
      %dma_wait3A = arith.constant 0 : i32
      %dma_wait3A_44 = tpu.memref_slice %arg5[%add3A_43, %dma_wait3A] : memref<8x128xi32, #tpu.memory_space<vmem>> -> memref<1x128xi32, #tpu.memory_space<vmem>>
      %dma_wait3A_45 = tpu.memref_squeeze %dma_wait3A_44 : memref<1x128xi32, #tpu.memory_space<vmem>> -> memref<128xi32, #tpu.memory_space<vmem>>
      %dma_wait3A_46 = arith.constant 0 : i32
      %dma_wait3A_47 = arith.constant 0 : i32
      %dma_wait3A_48 = tpu.memref_slice %arg2[%dma_wait3A_46, %dma_wait3A_47] : memref<16384x144xf32, #tpu.memory_space<hbm>> -> memref<16384x144xf32, #tpu.memory_space<hbm>>
      tpu.wait_indirect_dma semaphore(%arg10 : memref<!tpu.dma_semaphore, #tpu.memory_space<semaphore_mem>>) src(%dma_wait3A_48 : memref<16384x144xf32, #tpu.memory_space<hbm>>) dst(%arg6 : memref<128x144xf32, #tpu.memory_space<vmem>>)
      %add3A_49 = arith.constant 0 : i32
      %add3A_50 = arith.addi %mul3A_41, %add3A_49 : i32
      %mul3A_51 = arith.constant 128 : i32
      %mul3A_52 = arith.muli %add3A_50, %mul3A_51 : i32
      %add3A_53 = arith.addi %mul3A_6, %mul3A_52 : i32
      "tpu.region"() ({
        %run_scoped3A = tpu.sem_alloc : memref<!tpu.dma_semaphore, #tpu.memory_space<semaphore_mem>>
        %dma_start3A_126 = arith.constant 0 : i32
        %dma_start3A_127 = tpu.memref_slice %arg4[%add3A_53, %dma_start3A_126] : memref<32768x144xf32, #tpu.memory_space<hbm>> -> memref<128x144xf32, #tpu.memory_space<hbm>>
        %dma_start3A_128 = arith.constant 0 : i32
        %dma_start3A_129 = tpu.memref_slice %arg4[%add3A_53, %dma_start3A_128] : memref<32768x144xf32, #tpu.memory_space<hbm>> -> memref<128x144xf32, #tpu.memory_space<hbm>>
        tpu.enqueue_dma source(%arg6 : memref<128x144xf32, #tpu.memory_space<vmem>>) target(%dma_start3A_129 : memref<128x144xf32, #tpu.memory_space<hbm>>) target_semaphore(%run_scoped3A : memref<!tpu.dma_semaphore, #tpu.memory_space<semaphore_mem>>)
        %dma_wait3A_130 = arith.constant 0 : i32
        %dma_wait3A_131 = tpu.memref_slice %arg4[%add3A_53, %dma_wait3A_130] : memref<32768x144xf32, #tpu.memory_space<hbm>> -> memref<128x144xf32, #tpu.memory_space<hbm>>
        %dma_wait3A_132 = arith.constant 0 : i32
        %dma_wait3A_133 = tpu.memref_slice %arg4[%add3A_53, %dma_wait3A_132] : memref<32768x144xf32, #tpu.memory_space<hbm>> -> memref<128x144xf32, #tpu.memory_space<hbm>>
        tpu.wait_dma2 semaphore(%run_scoped3A : memref<!tpu.dma_semaphore, #tpu.memory_space<semaphore_mem>>) src(%arg6 : memref<128x144xf32, #tpu.memory_space<vmem>>) dst(%dma_wait3A_133 : memref<128x144xf32, #tpu.memory_space<hbm>>)
        tpu.yield
      }) : () -> ()
      %add3A_54 = arith.constant 0 : i32
      %add3A_55 = arith.addi %mul3A_41, %add3A_54 : i32
      %add3A_56 = arith.constant 4 : i32
      %add3A_57 = arith.addi %add3A_55, %add3A_56 : i32
      %lt3A = arith.constant 8 : i32
      %lt3A_58 = arith.cmpi slt, %add3A_57, %lt3A : i32
      %convert_element_type3A = arith.extui %lt3A_58 : i1 to i32
      %cond3A = arith.constant 0 : i32
      %cond3A_59 = arith.cmpi ne, %convert_element_type3A, %cond3A : i32
      scf.if %cond3A_59 {
        %add3A_126 = arith.constant 0 : i32
        %add3A_127 = arith.addi %mul3A_41, %add3A_126 : i32
        %add3A_128 = arith.constant 4 : i32
        %add3A_129 = arith.addi %add3A_127, %add3A_128 : i32
        %dma_start3A_130 = arith.constant 0 : i32
        %dma_start3A_131 = tpu.memref_slice %arg5[%add3A_129, %dma_start3A_130] : memref<8x128xi32, #tpu.memory_space<vmem>> -> memref<1x128xi32, #tpu.memory_space<vmem>>
        %dma_start3A_132 = tpu.memref_squeeze %dma_start3A_131 : memref<1x128xi32, #tpu.memory_space<vmem>> -> memref<128xi32, #tpu.memory_space<vmem>>
        %dma_start3A_133 = arith.constant 0 : i32
        %dma_start3A_134 = arith.constant 0 : i32
        %dma_start3A_135 = tpu.memref_slice %arg2[%dma_start3A_133, %dma_start3A_134] : memref<16384x144xf32, #tpu.memory_space<hbm>> -> memref<16384x144xf32, #tpu.memory_space<hbm>>
        tpu.enqueue_indirect_dma source(%dma_start3A_135 : memref<16384x144xf32, #tpu.memory_space<hbm>>) target(%arg6 : memref<128x144xf32, #tpu.memory_space<vmem>>) offsets(%dma_start3A_132 : memref<128xi32, #tpu.memory_space<vmem>>) semaphore(%arg10 : memref<!tpu.dma_semaphore, #tpu.memory_space<semaphore_mem>>)
      } else {
      }
      %add3A_60 = arith.constant 1 : i32
      %add3A_61 = arith.addi %mul3A_41, %add3A_60 : i32
      %dma_wait3A_62 = arith.constant 0 : i32
      %dma_wait3A_63 = tpu.memref_slice %arg5[%add3A_61, %dma_wait3A_62] : memref<8x128xi32, #tpu.memory_space<vmem>> -> memref<1x128xi32, #tpu.memory_space<vmem>>
      %dma_wait3A_64 = tpu.memref_squeeze %dma_wait3A_63 : memref<1x128xi32, #tpu.memory_space<vmem>> -> memref<128xi32, #tpu.memory_space<vmem>>
      %dma_wait3A_65 = arith.constant 0 : i32
      %dma_wait3A_66 = arith.constant 0 : i32
      %dma_wait3A_67 = tpu.memref_slice %arg2[%dma_wait3A_65, %dma_wait3A_66] : memref<16384x144xf32, #tpu.memory_space<hbm>> -> memref<16384x144xf32, #tpu.memory_space<hbm>>
      tpu.wait_indirect_dma semaphore(%arg11 : memref<!tpu.dma_semaphore, #tpu.memory_space<semaphore_mem>>) src(%dma_wait3A_67 : memref<16384x144xf32, #tpu.memory_space<hbm>>) dst(%arg7 : memref<128x144xf32, #tpu.memory_space<vmem>>)
      %add3A_68 = arith.constant 1 : i32
      %add3A_69 = arith.addi %mul3A_41, %add3A_68 : i32
      %mul3A_70 = arith.constant 128 : i32
      %mul3A_71 = arith.muli %add3A_69, %mul3A_70 : i32
      %add3A_72 = arith.addi %mul3A_6, %mul3A_71 : i32
      "tpu.region"() ({
        %run_scoped3A = tpu.sem_alloc : memref<!tpu.dma_semaphore, #tpu.memory_space<semaphore_mem>>
        %dma_start3A_126 = arith.constant 0 : i32
        %dma_start3A_127 = tpu.memref_slice %arg4[%add3A_72, %dma_start3A_126] : memref<32768x144xf32, #tpu.memory_space<hbm>> -> memref<128x144xf32, #tpu.memory_space<hbm>>
        %dma_start3A_128 = arith.constant 0 : i32
        %dma_start3A_129 = tpu.memref_slice %arg4[%add3A_72, %dma_start3A_128] : memref<32768x144xf32, #tpu.memory_space<hbm>> -> memref<128x144xf32, #tpu.memory_space<hbm>>
        tpu.enqueue_dma source(%arg7 : memref<128x144xf32, #tpu.memory_space<vmem>>) target(%dma_start3A_129 : memref<128x144xf32, #tpu.memory_space<hbm>>) target_semaphore(%run_scoped3A : memref<!tpu.dma_semaphore, #tpu.memory_space<semaphore_mem>>)
        %dma_wait3A_130 = arith.constant 0 : i32
        %dma_wait3A_131 = tpu.memref_slice %arg4[%add3A_72, %dma_wait3A_130] : memref<32768x144xf32, #tpu.memory_space<hbm>> -> memref<128x144xf32, #tpu.memory_space<hbm>>
        %dma_wait3A_132 = arith.constant 0 : i32
        %dma_wait3A_133 = tpu.memref_slice %arg4[%add3A_72, %dma_wait3A_132] : memref<32768x144xf32, #tpu.memory_space<hbm>> -> memref<128x144xf32, #tpu.memory_space<hbm>>
        tpu.wait_dma2 semaphore(%run_scoped3A : memref<!tpu.dma_semaphore, #tpu.memory_space<semaphore_mem>>) src(%arg7 : memref<128x144xf32, #tpu.memory_space<vmem>>) dst(%dma_wait3A_133 : memref<128x144xf32, #tpu.memory_space<hbm>>)
        tpu.yield
      }) : () -> ()
      %add3A_73 = arith.constant 1 : i32
      %add3A_74 = arith.addi %mul3A_41, %add3A_73 : i32
      %add3A_75 = arith.constant 4 : i32
      %add3A_76 = arith.addi %add3A_74, %add3A_75 : i32
      %lt3A_77 = arith.constant 8 : i32
      %lt3A_78 = arith.cmpi slt, %add3A_76, %lt3A_77 : i32
      %convert_element_type3A_79 = arith.extui %lt3A_78 : i1 to i32
      %cond3A_80 = arith.constant 0 : i32
      %cond3A_81 = arith.cmpi ne, %convert_element_type3A_79, %cond3A_80 : i32
      scf.if %cond3A_81 {
        %add3A_126 = arith.constant 1 : i32
        %add3A_127 = arith.addi %mul3A_41, %add3A_126 : i32
        %add3A_128 = arith.constant 4 : i32
        %add3A_129 = arith.addi %add3A_127, %add3A_128 : i32
        %dma_start3A_130 = arith.constant 0 : i32
        %dma_start3A_131 = tpu.memref_slice %arg5[%add3A_129, %dma_start3A_130] : memref<8x128xi32, #tpu.memory_space<vmem>> -> memref<1x128xi32, #tpu.memory_space<vmem>>
        %dma_start3A_132 = tpu.memref_squeeze %dma_start3A_131 : memref<1x128xi32, #tpu.memory_space<vmem>> -> memref<128xi32, #tpu.memory_space<vmem>>
        %dma_start3A_133 = arith.constant 0 : i32
        %dma_start3A_134 = arith.constant 0 : i32
        %dma_start3A_135 = tpu.memref_slice %arg2[%dma_start3A_133, %dma_start3A_134] : memref<16384x144xf32, #tpu.memory_space<hbm>> -> memref<16384x144xf32, #tpu.memory_space<hbm>>
        tpu.enqueue_indirect_dma source(%dma_start3A_135 : memref<16384x144xf32, #tpu.memory_space<hbm>>) target(%arg7 : memref<128x144xf32, #tpu.memory_space<vmem>>) offsets(%dma_start3A_132 : memref<128xi32, #tpu.memory_space<vmem>>) semaphore(%arg11 : memref<!tpu.dma_semaphore, #tpu.memory_space<semaphore_mem>>)
      } else {
      }
      %add3A_82 = arith.constant 2 : i32
      %add3A_83 = arith.addi %mul3A_41, %add3A_82 : i32
      %dma_wait3A_84 = arith.constant 0 : i32
      %dma_wait3A_85 = tpu.memref_slice %arg5[%add3A_83, %dma_wait3A_84] : memref<8x128xi32, #tpu.memory_space<vmem>> -> memref<1x128xi32, #tpu.memory_space<vmem>>
      %dma_wait3A_86 = tpu.memref_squeeze %dma_wait3A_85 : memref<1x128xi32, #tpu.memory_space<vmem>> -> memref<128xi32, #tpu.memory_space<vmem>>
      %dma_wait3A_87 = arith.constant 0 : i32
      %dma_wait3A_88 = arith.constant 0 : i32
      %dma_wait3A_89 = tpu.memref_slice %arg2[%dma_wait3A_87, %dma_wait3A_88] : memref<16384x144xf32, #tpu.memory_space<hbm>> -> memref<16384x144xf32, #tpu.memory_space<hbm>>
      tpu.wait_indirect_dma semaphore(%arg12 : memref<!tpu.dma_semaphore, #tpu.memory_space<semaphore_mem>>) src(%dma_wait3A_89 : memref<16384x144xf32, #tpu.memory_space<hbm>>) dst(%arg8 : memref<128x144xf32, #tpu.memory_space<vmem>>)
      %add3A_90 = arith.constant 2 : i32
      %add3A_91 = arith.addi %mul3A_41, %add3A_90 : i32
      %mul3A_92 = arith.constant 128 : i32
      %mul3A_93 = arith.muli %add3A_91, %mul3A_92 : i32
      %add3A_94 = arith.addi %mul3A_6, %mul3A_93 : i32
      "tpu.region"() ({
        %run_scoped3A = tpu.sem_alloc : memref<!tpu.dma_semaphore, #tpu.memory_space<semaphore_mem>>
        %dma_start3A_126 = arith.constant 0 : i32
        %dma_start3A_127 = tpu.memref_slice %arg4[%add3A_94, %dma_start3A_126] : memref<32768x144xf32, #tpu.memory_space<hbm>> -> memref<128x144xf32, #tpu.memory_space<hbm>>
        %dma_start3A_128 = arith.constant 0 : i32
        %dma_start3A_129 = tpu.memref_slice %arg4[%add3A_94, %dma_start3A_128] : memref<32768x144xf32, #tpu.memory_space<hbm>> -> memref<128x144xf32, #tpu.memory_space<hbm>>
        tpu.enqueue_dma source(%arg8 : memref<128x144xf32, #tpu.memory_space<vmem>>) target(%dma_start3A_129 : memref<128x144xf32, #tpu.memory_space<hbm>>) target_semaphore(%run_scoped3A : memref<!tpu.dma_semaphore, #tpu.memory_space<semaphore_mem>>)
        %dma_wait3A_130 = arith.constant 0 : i32
        %dma_wait3A_131 = tpu.memref_slice %arg4[%add3A_94, %dma_wait3A_130] : memref<32768x144xf32, #tpu.memory_space<hbm>> -> memref<128x144xf32, #tpu.memory_space<hbm>>
        %dma_wait3A_132 = arith.constant 0 : i32
        %dma_wait3A_133 = tpu.memref_slice %arg4[%add3A_94, %dma_wait3A_132] : memref<32768x144xf32, #tpu.memory_space<hbm>> -> memref<128x144xf32, #tpu.memory_space<hbm>>
        tpu.wait_dma2 semaphore(%run_scoped3A : memref<!tpu.dma_semaphore, #tpu.memory_space<semaphore_mem>>) src(%arg8 : memref<128x144xf32, #tpu.memory_space<vmem>>) dst(%dma_wait3A_133 : memref<128x144xf32, #tpu.memory_space<hbm>>)
        tpu.yield
      }) : () -> ()
      %add3A_95 = arith.constant 2 : i32
      %add3A_96 = arith.addi %mul3A_41, %add3A_95 : i32
      %add3A_97 = arith.constant 4 : i32
      %add3A_98 = arith.addi %add3A_96, %add3A_97 : i32
      %lt3A_99 = arith.constant 8 : i32
      %lt3A_100 = arith.cmpi slt, %add3A_98, %lt3A_99 : i32
      %convert_element_type3A_101 = arith.extui %lt3A_100 : i1 to i32
      %cond3A_102 = arith.constant 0 : i32
      %cond3A_103 = arith.cmpi ne, %convert_element_type3A_101, %cond3A_102 : i32
      scf.if %cond3A_103 {
        %add3A_126 = arith.constant 2 : i32
        %add3A_127 = arith.addi %mul3A_41, %add3A_126 : i32
        %add3A_128 = arith.constant 4 : i32
        %add3A_129 = arith.addi %add3A_127, %add3A_128 : i32
        %dma_start3A_130 = arith.constant 0 : i32
        %dma_start3A_131 = tpu.memref_slice %arg5[%add3A_129, %dma_start3A_130] : memref<8x128xi32, #tpu.memory_space<vmem>> -> memref<1x128xi32, #tpu.memory_space<vmem>>
        %dma_start3A_132 = tpu.memref_squeeze %dma_start3A_131 : memref<1x128xi32, #tpu.memory_space<vmem>> -> memref<128xi32, #tpu.memory_space<vmem>>
        %dma_start3A_133 = arith.constant 0 : i32
        %dma_start3A_134 = arith.constant 0 : i32
        %dma_start3A_135 = tpu.memref_slice %arg2[%dma_start3A_133, %dma_start3A_134] : memref<16384x144xf32, #tpu.memory_space<hbm>> -> memref<16384x144xf32, #tpu.memory_space<hbm>>
        tpu.enqueue_indirect_dma source(%dma_start3A_135 : memref<16384x144xf32, #tpu.memory_space<hbm>>) target(%arg8 : memref<128x144xf32, #tpu.memory_space<vmem>>) offsets(%dma_start3A_132 : memref<128xi32, #tpu.memory_space<vmem>>) semaphore(%arg12 : memref<!tpu.dma_semaphore, #tpu.memory_space<semaphore_mem>>)
      } else {
      }
      %add3A_104 = arith.constant 3 : i32
      %add3A_105 = arith.addi %mul3A_41, %add3A_104 : i32
      %dma_wait3A_106 = arith.constant 0 : i32
      %dma_wait3A_107 = tpu.memref_slice %arg5[%add3A_105, %dma_wait3A_106] : memref<8x128xi32, #tpu.memory_space<vmem>> -> memref<1x128xi32, #tpu.memory_space<vmem>>
      %dma_wait3A_108 = tpu.memref_squeeze %dma_wait3A_107 : memref<1x128xi32, #tpu.memory_space<vmem>> -> memref<128xi32, #tpu.memory_space<vmem>>
      %dma_wait3A_109 = arith.constant 0 : i32
      %dma_wait3A_110 = arith.constant 0 : i32
      %dma_wait3A_111 = tpu.memref_slice %arg2[%dma_wait3A_109, %dma_wait3A_110] : memref<16384x144xf32, #tpu.memory_space<hbm>> -> memref<16384x144xf32, #tpu.memory_space<hbm>>
      tpu.wait_indirect_dma semaphore(%arg13 : memref<!tpu.dma_semaphore, #tpu.memory_space<semaphore_mem>>) src(%dma_wait3A_111 : memref<16384x144xf32, #tpu.memory_space<hbm>>) dst(%arg9 : memref<128x144xf32, #tpu.memory_space<vmem>>)
      %add3A_112 = arith.constant 3 : i32
      %add3A_113 = arith.addi %mul3A_41, %add3A_112 : i32
      %mul3A_114 = arith.constant 128 : i32
      %mul3A_115 = arith.muli %add3A_113, %mul3A_114 : i32
      %add3A_116 = arith.addi %mul3A_6, %mul3A_115 : i32
      "tpu.region"() ({
        %run_scoped3A = tpu.sem_alloc : memref<!tpu.dma_semaphore, #tpu.memory_space<semaphore_mem>>
        %dma_start3A_126 = arith.constant 0 : i32
        %dma_start3A_127 = tpu.memref_slice %arg4[%add3A_116, %dma_start3A_126] : memref<32768x144xf32, #tpu.memory_space<hbm>> -> memref<128x144xf32, #tpu.memory_space<hbm>>
        %dma_start3A_128 = arith.constant 0 : i32
        %dma_start3A_129 = tpu.memref_slice %arg4[%add3A_116, %dma_start3A_128] : memref<32768x144xf32, #tpu.memory_space<hbm>> -> memref<128x144xf32, #tpu.memory_space<hbm>>
        tpu.enqueue_dma source(%arg9 : memref<128x144xf32, #tpu.memory_space<vmem>>) target(%dma_start3A_129 : memref<128x144xf32, #tpu.memory_space<hbm>>) target_semaphore(%run_scoped3A : memref<!tpu.dma_semaphore, #tpu.memory_space<semaphore_mem>>)
        %dma_wait3A_130 = arith.constant 0 : i32
        %dma_wait3A_131 = tpu.memref_slice %arg4[%add3A_116, %dma_wait3A_130] : memref<32768x144xf32, #tpu.memory_space<hbm>> -> memref<128x144xf32, #tpu.memory_space<hbm>>
        %dma_wait3A_132 = arith.constant 0 : i32
        %dma_wait3A_133 = tpu.memref_slice %arg4[%add3A_116, %dma_wait3A_132] : memref<32768x144xf32, #tpu.memory_space<hbm>> -> memref<128x144xf32, #tpu.memory_space<hbm>>
        tpu.wait_dma2 semaphore(%run_scoped3A : memref<!tpu.dma_semaphore, #tpu.memory_space<semaphore_mem>>) src(%arg9 : memref<128x144xf32, #tpu.memory_space<vmem>>) dst(%dma_wait3A_133 : memref<128x144xf32, #tpu.memory_space<hbm>>)
        tpu.yield
      }) : () -> ()
      %add3A_117 = arith.constant 3 : i32
      %add3A_118 = arith.addi %mul3A_41, %add3A_117 : i32
      %add3A_119 = arith.constant 4 : i32
      %add3A_120 = arith.addi %add3A_118, %add3A_119 : i32
      %lt3A_121 = arith.constant 8 : i32
      %lt3A_122 = arith.cmpi slt, %add3A_120, %lt3A_121 : i32
      %convert_element_type3A_123 = arith.extui %lt3A_122 : i1 to i32
      %cond3A_124 = arith.constant 0 : i32
      %cond3A_125 = arith.cmpi ne, %convert_element_type3A_123, %cond3A_124 : i32
      scf.if %cond3A_125 {
        %add3A_126 = arith.constant 3 : i32
        %add3A_127 = arith.addi %mul3A_41, %add3A_126 : i32
        %add3A_128 = arith.constant 4 : i32
        %add3A_129 = arith.addi %add3A_127, %add3A_128 : i32
        %dma_start3A_130 = arith.constant 0 : i32
        %dma_start3A_131 = tpu.memref_slice %arg5[%add3A_129, %dma_start3A_130] : memref<8x128xi32, #tpu.memory_space<vmem>> -> memref<1x128xi32, #tpu.memory_space<vmem>>
        %dma_start3A_132 = tpu.memref_squeeze %dma_start3A_131 : memref<1x128xi32, #tpu.memory_space<vmem>> -> memref<128xi32, #tpu.memory_space<vmem>>
        %dma_start3A_133 = arith.constant 0 : i32
        %dma_start3A_134 = arith.constant 0 : i32
        %dma_start3A_135 = tpu.memref_slice %arg2[%dma_start3A_133, %dma_start3A_134] : memref<16384x144xf32, #tpu.memory_space<hbm>> -> memref<16384x144xf32, #tpu.memory_space<hbm>>
        tpu.enqueue_indirect_dma source(%dma_start3A_135 : memref<16384x144xf32, #tpu.memory_space<hbm>>) target(%arg9 : memref<128x144xf32, #tpu.memory_space<vmem>>) offsets(%dma_start3A_132 : memref<128xi32, #tpu.memory_space<vmem>>) semaphore(%arg13 : memref<!tpu.dma_semaphore, #tpu.memory_space<semaphore_mem>>)
      } else {
      }
    }
    %scan3A_38 = arith.constant 2 : i32
    return
  }
}

#map = affine_map<(d0, d1) -> (0, 0)>
module attributes {stable_mosaic.version = 14 : i64} {
  func.func @k(%arg0: i32, %arg1: i32, %arg2: memref<32768x16xf32, #tpu.memory_space<hbm>>, %arg3: memref<4096x128xi32, #tpu.memory_space<hbm>>, %arg4: memref<524288x16xf32, #tpu.memory_space<hbm>>, %arg5: memref<128x128xi32, #tpu.memory_space<vmem>>, %arg6: memref<128x16xf32, #tpu.memory_space<vmem>>, %arg7: memref<128x16xf32, #tpu.memory_space<vmem>>, %arg8: memref<128x16xf32, #tpu.memory_space<vmem>>, %arg9: memref<128x16xf32, #tpu.memory_space<vmem>>, %arg10: memref<!tpu.dma_semaphore, #tpu.memory_space<semaphore_mem>>, %arg11: memref<!tpu.dma_semaphore, #tpu.memory_space<semaphore_mem>>, %arg12: memref<!tpu.dma_semaphore, #tpu.memory_space<semaphore_mem>>, %arg13: memref<!tpu.dma_semaphore, #tpu.memory_space<semaphore_mem>>) attributes {dimension_semantics = [#tpu.dimension_semantics<core_parallel>, #tpu.dimension_semantics<subcore_parallel>], iteration_bounds = array<i64: 2, 16>, scalar_prefetch = 0 : i64, scratch_operands = 9 : i64, tpu.core_type = #tpu.core_type<sc_vector_subcore>, window_params = [{transform_indices = #map}, {transform_indices = #map}, {transform_indices = #map}]} {
    %mul3A = arith.constant 2 : i32
    %mul3A_0 = arith.muli %arg1, %mul3A : i32
    %add3A = arith.addi %mul3A_0, %arg0 : i32
    %mul3A_1 = arith.constant 128 : i32
    %mul3A_2 = arith.muli %add3A, %mul3A_1 : i32
    %mul3A_3 = arith.constant 128 : i32
    %mul3A_4 = arith.muli %add3A, %mul3A_3 : i32
    %mul3A_5 = arith.constant 128 : i32
    %mul3A_6 = arith.muli %mul3A_4, %mul3A_5 : i32
    "tpu.region"() ({
      %run_scoped3A = tpu.sem_alloc : memref<!tpu.dma_semaphore, #tpu.memory_space<semaphore_mem>>
      %dma_start3A_39 = arith.constant 0 : i32
      %dma_start3A_40 = tpu.memref_slice %arg3[%mul3A_2, %dma_start3A_39] : memref<4096x128xi32, #tpu.memory_space<hbm>> -> memref<128x128xi32, #tpu.memory_space<hbm>>
      %dma_start3A_41 = arith.constant 0 : i32
      %dma_start3A_42 = tpu.memref_slice %arg3[%mul3A_2, %dma_start3A_41] : memref<4096x128xi32, #tpu.memory_space<hbm>> -> memref<128x128xi32, #tpu.memory_space<hbm>>
      tpu.enqueue_dma source(%dma_start3A_42 : memref<128x128xi32, #tpu.memory_space<hbm>>) target(%arg5 : memref<128x128xi32, #tpu.memory_space<vmem>>) target_semaphore(%run_scoped3A : memref<!tpu.dma_semaphore, #tpu.memory_space<semaphore_mem>>)
      %dma_wait3A = arith.constant 0 : i32
      %dma_wait3A_43 = tpu.memref_slice %arg3[%mul3A_2, %dma_wait3A] : memref<4096x128xi32, #tpu.memory_space<hbm>> -> memref<128x128xi32, #tpu.memory_space<hbm>>
      %dma_wait3A_44 = arith.constant 0 : i32
      %dma_wait3A_45 = tpu.memref_slice %arg3[%mul3A_2, %dma_wait3A_44] : memref<4096x128xi32, #tpu.memory_space<hbm>> -> memref<128x128xi32, #tpu.memory_space<hbm>>
      tpu.wait_dma2 semaphore(%run_scoped3A : memref<!tpu.dma_semaphore, #tpu.memory_space<semaphore_mem>>) src(%dma_wait3A_45 : memref<128x128xi32, #tpu.memory_space<hbm>>) dst(%arg5 : memref<128x128xi32, #tpu.memory_space<vmem>>)
      tpu.yield
    }) : () -> ()
    %dma_start3A = arith.constant 0 : i32
    %dma_start3A_7 = arith.constant 0 : i32
    %dma_start3A_8 = tpu.memref_slice %arg5[%dma_start3A, %dma_start3A_7] : memref<128x128xi32, #tpu.memory_space<vmem>> -> memref<1x128xi32, #tpu.memory_space<vmem>>
    %dma_start3A_9 = tpu.memref_squeeze %dma_start3A_8 : memref<1x128xi32, #tpu.memory_space<vmem>> -> memref<128xi32, #tpu.memory_space<vmem>>
    %dma_start3A_10 = arith.constant 0 : i32
    %dma_start3A_11 = arith.constant 0 : i32
    %dma_start3A_12 = tpu.memref_slice %arg2[%dma_start3A_10, %dma_start3A_11] : memref<32768x16xf32, #tpu.memory_space<hbm>> -> memref<32768x16xf32, #tpu.memory_space<hbm>>
    tpu.enqueue_indirect_dma source(%dma_start3A_12 : memref<32768x16xf32, #tpu.memory_space<hbm>>) target(%arg6 : memref<128x16xf32, #tpu.memory_space<vmem>>) offsets(%dma_start3A_9 : memref<128xi32, #tpu.memory_space<vmem>>) semaphore(%arg10 : memref<!tpu.dma_semaphore, #tpu.memory_space<semaphore_mem>>)
    %dma_start3A_13 = arith.constant 1 : i32
    %dma_start3A_14 = arith.constant 0 : i32
    %dma_start3A_15 = tpu.memref_slice %arg5[%dma_start3A_13, %dma_start3A_14] : memref<128x128xi32, #tpu.memory_space<vmem>> -> memref<1x128xi32, #tpu.memory_space<vmem>>
    %dma_start3A_16 = tpu.memref_squeeze %dma_start3A_15 : memref<1x128xi32, #tpu.memory_space<vmem>> -> memref<128xi32, #tpu.memory_space<vmem>>
    %dma_start3A_17 = arith.constant 0 : i32
    %dma_start3A_18 = arith.constant 0 : i32
    %dma_start3A_19 = tpu.memref_slice %arg2[%dma_start3A_17, %dma_start3A_18] : memref<32768x16xf32, #tpu.memory_space<hbm>> -> memref<32768x16xf32, #tpu.memory_space<hbm>>
    tpu.enqueue_indirect_dma source(%dma_start3A_19 : memref<32768x16xf32, #tpu.memory_space<hbm>>) target(%arg7 : memref<128x16xf32, #tpu.memory_space<vmem>>) offsets(%dma_start3A_16 : memref<128xi32, #tpu.memory_space<vmem>>) semaphore(%arg11 : memref<!tpu.dma_semaphore, #tpu.memory_space<semaphore_mem>>)
    %dma_start3A_20 = arith.constant 2 : i32
    %dma_start3A_21 = arith.constant 0 : i32
    %dma_start3A_22 = tpu.memref_slice %arg5[%dma_start3A_20, %dma_start3A_21] : memref<128x128xi32, #tpu.memory_space<vmem>> -> memref<1x128xi32, #tpu.memory_space<vmem>>
    %dma_start3A_23 = tpu.memref_squeeze %dma_start3A_22 : memref<1x128xi32, #tpu.memory_space<vmem>> -> memref<128xi32, #tpu.memory_space<vmem>>
    %dma_start3A_24 = arith.constant 0 : i32
    %dma_start3A_25 = arith.constant 0 : i32
    %dma_start3A_26 = tpu.memref_slice %arg2[%dma_start3A_24, %dma_start3A_25] : memref<32768x16xf32, #tpu.memory_space<hbm>> -> memref<32768x16xf32, #tpu.memory_space<hbm>>
    tpu.enqueue_indirect_dma source(%dma_start3A_26 : memref<32768x16xf32, #tpu.memory_space<hbm>>) target(%arg8 : memref<128x16xf32, #tpu.memory_space<vmem>>) offsets(%dma_start3A_23 : memref<128xi32, #tpu.memory_space<vmem>>) semaphore(%arg12 : memref<!tpu.dma_semaphore, #tpu.memory_space<semaphore_mem>>)
    %dma_start3A_27 = arith.constant 3 : i32
    %dma_start3A_28 = arith.constant 0 : i32
    %dma_start3A_29 = tpu.memref_slice %arg5[%dma_start3A_27, %dma_start3A_28] : memref<128x128xi32, #tpu.memory_space<vmem>> -> memref<1x128xi32, #tpu.memory_space<vmem>>
    %dma_start3A_30 = tpu.memref_squeeze %dma_start3A_29 : memref<1x128xi32, #tpu.memory_space<vmem>> -> memref<128xi32, #tpu.memory_space<vmem>>
    %dma_start3A_31 = arith.constant 0 : i32
    %dma_start3A_32 = arith.constant 0 : i32
    %dma_start3A_33 = tpu.memref_slice %arg2[%dma_start3A_31, %dma_start3A_32] : memref<32768x16xf32, #tpu.memory_space<hbm>> -> memref<32768x16xf32, #tpu.memory_space<hbm>>
    tpu.enqueue_indirect_dma source(%dma_start3A_33 : memref<32768x16xf32, #tpu.memory_space<hbm>>) target(%arg9 : memref<128x16xf32, #tpu.memory_space<vmem>>) offsets(%dma_start3A_30 : memref<128xi32, #tpu.memory_space<vmem>>) semaphore(%arg13 : memref<!tpu.dma_semaphore, #tpu.memory_space<semaphore_mem>>)
    %scan3A = arith.constant 0 : i32
    %scan3A_34 = arith.constant 0 : i32
    %scan3A_35 = arith.constant 32 : i32
    %scan3A_36 = arith.addi %scan3A_34, %scan3A_35 : i32
    %scan3A_37 = arith.constant 1 : i32
    scf.for %scan3A_39 = %scan3A_34 to %scan3A_36 step %scan3A_37  : i32 {
      %mul3A_40 = arith.constant 4 : i32
      %mul3A_41 = arith.muli %mul3A_40, %scan3A_39 : i32
      %add3A_42 = arith.constant 0 : i32
      %add3A_43 = arith.addi %mul3A_41, %add3A_42 : i32
      %dma_wait3A = arith.constant 0 : i32
      %dma_wait3A_44 = tpu.memref_slice %arg5[%add3A_43, %dma_wait3A] : memref<128x128xi32, #tpu.memory_space<vmem>> -> memref<1x128xi32, #tpu.memory_space<vmem>>
      %dma_wait3A_45 = tpu.memref_squeeze %dma_wait3A_44 : memref<1x128xi32, #tpu.memory_space<vmem>> -> memref<128xi32, #tpu.memory_space<vmem>>
      %dma_wait3A_46 = arith.constant 0 : i32
      %dma_wait3A_47 = arith.constant 0 : i32
      %dma_wait3A_48 = tpu.memref_slice %arg2[%dma_wait3A_46, %dma_wait3A_47] : memref<32768x16xf32, #tpu.memory_space<hbm>> -> memref<32768x16xf32, #tpu.memory_space<hbm>>
      tpu.wait_indirect_dma semaphore(%arg10 : memref<!tpu.dma_semaphore, #tpu.memory_space<semaphore_mem>>) src(%dma_wait3A_48 : memref<32768x16xf32, #tpu.memory_space<hbm>>) dst(%arg6 : memref<128x16xf32, #tpu.memory_space<vmem>>)
      %add3A_49 = arith.constant 0 : i32
      %add3A_50 = arith.addi %mul3A_41, %add3A_49 : i32
      %mul3A_51 = arith.constant 128 : i32
      %mul3A_52 = arith.muli %add3A_50, %mul3A_51 : i32
      %add3A_53 = arith.addi %mul3A_6, %mul3A_52 : i32
      "tpu.region"() ({
        %run_scoped3A = tpu.sem_alloc : memref<!tpu.dma_semaphore, #tpu.memory_space<semaphore_mem>>
        %dma_start3A_126 = arith.constant 0 : i32
        %dma_start3A_127 = tpu.memref_slice %arg4[%add3A_53, %dma_start3A_126] : memref<524288x16xf32, #tpu.memory_space<hbm>> -> memref<128x16xf32, #tpu.memory_space<hbm>>
        %dma_start3A_128 = arith.constant 0 : i32
        %dma_start3A_129 = tpu.memref_slice %arg4[%add3A_53, %dma_start3A_128] : memref<524288x16xf32, #tpu.memory_space<hbm>> -> memref<128x16xf32, #tpu.memory_space<hbm>>
        tpu.enqueue_dma source(%arg6 : memref<128x16xf32, #tpu.memory_space<vmem>>) target(%dma_start3A_129 : memref<128x16xf32, #tpu.memory_space<hbm>>) target_semaphore(%run_scoped3A : memref<!tpu.dma_semaphore, #tpu.memory_space<semaphore_mem>>)
        %dma_wait3A_130 = arith.constant 0 : i32
        %dma_wait3A_131 = tpu.memref_slice %arg4[%add3A_53, %dma_wait3A_130] : memref<524288x16xf32, #tpu.memory_space<hbm>> -> memref<128x16xf32, #tpu.memory_space<hbm>>
        %dma_wait3A_132 = arith.constant 0 : i32
        %dma_wait3A_133 = tpu.memref_slice %arg4[%add3A_53, %dma_wait3A_132] : memref<524288x16xf32, #tpu.memory_space<hbm>> -> memref<128x16xf32, #tpu.memory_space<hbm>>
        tpu.wait_dma2 semaphore(%run_scoped3A : memref<!tpu.dma_semaphore, #tpu.memory_space<semaphore_mem>>) src(%arg6 : memref<128x16xf32, #tpu.memory_space<vmem>>) dst(%dma_wait3A_133 : memref<128x16xf32, #tpu.memory_space<hbm>>)
        tpu.yield
      }) : () -> ()
      %add3A_54 = arith.constant 0 : i32
      %add3A_55 = arith.addi %mul3A_41, %add3A_54 : i32
      %add3A_56 = arith.constant 4 : i32
      %add3A_57 = arith.addi %add3A_55, %add3A_56 : i32
      %lt3A = arith.constant 128 : i32
      %lt3A_58 = arith.cmpi slt, %add3A_57, %lt3A : i32
      %convert_element_type3A = arith.extui %lt3A_58 : i1 to i32
      %cond3A = arith.constant 0 : i32
      %cond3A_59 = arith.cmpi ne, %convert_element_type3A, %cond3A : i32
      scf.if %cond3A_59 {
        %add3A_126 = arith.constant 0 : i32
        %add3A_127 = arith.addi %mul3A_41, %add3A_126 : i32
        %add3A_128 = arith.constant 4 : i32
        %add3A_129 = arith.addi %add3A_127, %add3A_128 : i32
        %dma_start3A_130 = arith.constant 0 : i32
        %dma_start3A_131 = tpu.memref_slice %arg5[%add3A_129, %dma_start3A_130] : memref<128x128xi32, #tpu.memory_space<vmem>> -> memref<1x128xi32, #tpu.memory_space<vmem>>
        %dma_start3A_132 = tpu.memref_squeeze %dma_start3A_131 : memref<1x128xi32, #tpu.memory_space<vmem>> -> memref<128xi32, #tpu.memory_space<vmem>>
        %dma_start3A_133 = arith.constant 0 : i32
        %dma_start3A_134 = arith.constant 0 : i32
        %dma_start3A_135 = tpu.memref_slice %arg2[%dma_start3A_133, %dma_start3A_134] : memref<32768x16xf32, #tpu.memory_space<hbm>> -> memref<32768x16xf32, #tpu.memory_space<hbm>>
        tpu.enqueue_indirect_dma source(%dma_start3A_135 : memref<32768x16xf32, #tpu.memory_space<hbm>>) target(%arg6 : memref<128x16xf32, #tpu.memory_space<vmem>>) offsets(%dma_start3A_132 : memref<128xi32, #tpu.memory_space<vmem>>) semaphore(%arg10 : memref<!tpu.dma_semaphore, #tpu.memory_space<semaphore_mem>>)
      } else {
      }
      %add3A_60 = arith.constant 1 : i32
      %add3A_61 = arith.addi %mul3A_41, %add3A_60 : i32
      %dma_wait3A_62 = arith.constant 0 : i32
      %dma_wait3A_63 = tpu.memref_slice %arg5[%add3A_61, %dma_wait3A_62] : memref<128x128xi32, #tpu.memory_space<vmem>> -> memref<1x128xi32, #tpu.memory_space<vmem>>
      %dma_wait3A_64 = tpu.memref_squeeze %dma_wait3A_63 : memref<1x128xi32, #tpu.memory_space<vmem>> -> memref<128xi32, #tpu.memory_space<vmem>>
      %dma_wait3A_65 = arith.constant 0 : i32
      %dma_wait3A_66 = arith.constant 0 : i32
      %dma_wait3A_67 = tpu.memref_slice %arg2[%dma_wait3A_65, %dma_wait3A_66] : memref<32768x16xf32, #tpu.memory_space<hbm>> -> memref<32768x16xf32, #tpu.memory_space<hbm>>
      tpu.wait_indirect_dma semaphore(%arg11 : memref<!tpu.dma_semaphore, #tpu.memory_space<semaphore_mem>>) src(%dma_wait3A_67 : memref<32768x16xf32, #tpu.memory_space<hbm>>) dst(%arg7 : memref<128x16xf32, #tpu.memory_space<vmem>>)
      %add3A_68 = arith.constant 1 : i32
      %add3A_69 = arith.addi %mul3A_41, %add3A_68 : i32
      %mul3A_70 = arith.constant 128 : i32
      %mul3A_71 = arith.muli %add3A_69, %mul3A_70 : i32
      %add3A_72 = arith.addi %mul3A_6, %mul3A_71 : i32
      "tpu.region"() ({
        %run_scoped3A = tpu.sem_alloc : memref<!tpu.dma_semaphore, #tpu.memory_space<semaphore_mem>>
        %dma_start3A_126 = arith.constant 0 : i32
        %dma_start3A_127 = tpu.memref_slice %arg4[%add3A_72, %dma_start3A_126] : memref<524288x16xf32, #tpu.memory_space<hbm>> -> memref<128x16xf32, #tpu.memory_space<hbm>>
        %dma_start3A_128 = arith.constant 0 : i32
        %dma_start3A_129 = tpu.memref_slice %arg4[%add3A_72, %dma_start3A_128] : memref<524288x16xf32, #tpu.memory_space<hbm>> -> memref<128x16xf32, #tpu.memory_space<hbm>>
        tpu.enqueue_dma source(%arg7 : memref<128x16xf32, #tpu.memory_space<vmem>>) target(%dma_start3A_129 : memref<128x16xf32, #tpu.memory_space<hbm>>) target_semaphore(%run_scoped3A : memref<!tpu.dma_semaphore, #tpu.memory_space<semaphore_mem>>)
        %dma_wait3A_130 = arith.constant 0 : i32
        %dma_wait3A_131 = tpu.memref_slice %arg4[%add3A_72, %dma_wait3A_130] : memref<524288x16xf32, #tpu.memory_space<hbm>> -> memref<128x16xf32, #tpu.memory_space<hbm>>
        %dma_wait3A_132 = arith.constant 0 : i32
        %dma_wait3A_133 = tpu.memref_slice %arg4[%add3A_72, %dma_wait3A_132] : memref<524288x16xf32, #tpu.memory_space<hbm>> -> memref<128x16xf32, #tpu.memory_space<hbm>>
        tpu.wait_dma2 semaphore(%run_scoped3A : memref<!tpu.dma_semaphore, #tpu.memory_space<semaphore_mem>>) src(%arg7 : memref<128x16xf32, #tpu.memory_space<vmem>>) dst(%dma_wait3A_133 : memref<128x16xf32, #tpu.memory_space<hbm>>)
        tpu.yield
      }) : () -> ()
      %add3A_73 = arith.constant 1 : i32
      %add3A_74 = arith.addi %mul3A_41, %add3A_73 : i32
      %add3A_75 = arith.constant 4 : i32
      %add3A_76 = arith.addi %add3A_74, %add3A_75 : i32
      %lt3A_77 = arith.constant 128 : i32
      %lt3A_78 = arith.cmpi slt, %add3A_76, %lt3A_77 : i32
      %convert_element_type3A_79 = arith.extui %lt3A_78 : i1 to i32
      %cond3A_80 = arith.constant 0 : i32
      %cond3A_81 = arith.cmpi ne, %convert_element_type3A_79, %cond3A_80 : i32
      scf.if %cond3A_81 {
        %add3A_126 = arith.constant 1 : i32
        %add3A_127 = arith.addi %mul3A_41, %add3A_126 : i32
        %add3A_128 = arith.constant 4 : i32
        %add3A_129 = arith.addi %add3A_127, %add3A_128 : i32
        %dma_start3A_130 = arith.constant 0 : i32
        %dma_start3A_131 = tpu.memref_slice %arg5[%add3A_129, %dma_start3A_130] : memref<128x128xi32, #tpu.memory_space<vmem>> -> memref<1x128xi32, #tpu.memory_space<vmem>>
        %dma_start3A_132 = tpu.memref_squeeze %dma_start3A_131 : memref<1x128xi32, #tpu.memory_space<vmem>> -> memref<128xi32, #tpu.memory_space<vmem>>
        %dma_start3A_133 = arith.constant 0 : i32
        %dma_start3A_134 = arith.constant 0 : i32
        %dma_start3A_135 = tpu.memref_slice %arg2[%dma_start3A_133, %dma_start3A_134] : memref<32768x16xf32, #tpu.memory_space<hbm>> -> memref<32768x16xf32, #tpu.memory_space<hbm>>
        tpu.enqueue_indirect_dma source(%dma_start3A_135 : memref<32768x16xf32, #tpu.memory_space<hbm>>) target(%arg7 : memref<128x16xf32, #tpu.memory_space<vmem>>) offsets(%dma_start3A_132 : memref<128xi32, #tpu.memory_space<vmem>>) semaphore(%arg11 : memref<!tpu.dma_semaphore, #tpu.memory_space<semaphore_mem>>)
      } else {
      }
      %add3A_82 = arith.constant 2 : i32
      %add3A_83 = arith.addi %mul3A_41, %add3A_82 : i32
      %dma_wait3A_84 = arith.constant 0 : i32
      %dma_wait3A_85 = tpu.memref_slice %arg5[%add3A_83, %dma_wait3A_84] : memref<128x128xi32, #tpu.memory_space<vmem>> -> memref<1x128xi32, #tpu.memory_space<vmem>>
      %dma_wait3A_86 = tpu.memref_squeeze %dma_wait3A_85 : memref<1x128xi32, #tpu.memory_space<vmem>> -> memref<128xi32, #tpu.memory_space<vmem>>
      %dma_wait3A_87 = arith.constant 0 : i32
      %dma_wait3A_88 = arith.constant 0 : i32
      %dma_wait3A_89 = tpu.memref_slice %arg2[%dma_wait3A_87, %dma_wait3A_88] : memref<32768x16xf32, #tpu.memory_space<hbm>> -> memref<32768x16xf32, #tpu.memory_space<hbm>>
      tpu.wait_indirect_dma semaphore(%arg12 : memref<!tpu.dma_semaphore, #tpu.memory_space<semaphore_mem>>) src(%dma_wait3A_89 : memref<32768x16xf32, #tpu.memory_space<hbm>>) dst(%arg8 : memref<128x16xf32, #tpu.memory_space<vmem>>)
      %add3A_90 = arith.constant 2 : i32
      %add3A_91 = arith.addi %mul3A_41, %add3A_90 : i32
      %mul3A_92 = arith.constant 128 : i32
      %mul3A_93 = arith.muli %add3A_91, %mul3A_92 : i32
      %add3A_94 = arith.addi %mul3A_6, %mul3A_93 : i32
      "tpu.region"() ({
        %run_scoped3A = tpu.sem_alloc : memref<!tpu.dma_semaphore, #tpu.memory_space<semaphore_mem>>
        %dma_start3A_126 = arith.constant 0 : i32
        %dma_start3A_127 = tpu.memref_slice %arg4[%add3A_94, %dma_start3A_126] : memref<524288x16xf32, #tpu.memory_space<hbm>> -> memref<128x16xf32, #tpu.memory_space<hbm>>
        %dma_start3A_128 = arith.constant 0 : i32
        %dma_start3A_129 = tpu.memref_slice %arg4[%add3A_94, %dma_start3A_128] : memref<524288x16xf32, #tpu.memory_space<hbm>> -> memref<128x16xf32, #tpu.memory_space<hbm>>
        tpu.enqueue_dma source(%arg8 : memref<128x16xf32, #tpu.memory_space<vmem>>) target(%dma_start3A_129 : memref<128x16xf32, #tpu.memory_space<hbm>>) target_semaphore(%run_scoped3A : memref<!tpu.dma_semaphore, #tpu.memory_space<semaphore_mem>>)
        %dma_wait3A_130 = arith.constant 0 : i32
        %dma_wait3A_131 = tpu.memref_slice %arg4[%add3A_94, %dma_wait3A_130] : memref<524288x16xf32, #tpu.memory_space<hbm>> -> memref<128x16xf32, #tpu.memory_space<hbm>>
        %dma_wait3A_132 = arith.constant 0 : i32
        %dma_wait3A_133 = tpu.memref_slice %arg4[%add3A_94, %dma_wait3A_132] : memref<524288x16xf32, #tpu.memory_space<hbm>> -> memref<128x16xf32, #tpu.memory_space<hbm>>
        tpu.wait_dma2 semaphore(%run_scoped3A : memref<!tpu.dma_semaphore, #tpu.memory_space<semaphore_mem>>) src(%arg8 : memref<128x16xf32, #tpu.memory_space<vmem>>) dst(%dma_wait3A_133 : memref<128x16xf32, #tpu.memory_space<hbm>>)
        tpu.yield
      }) : () -> ()
      %add3A_95 = arith.constant 2 : i32
      %add3A_96 = arith.addi %mul3A_41, %add3A_95 : i32
      %add3A_97 = arith.constant 4 : i32
      %add3A_98 = arith.addi %add3A_96, %add3A_97 : i32
      %lt3A_99 = arith.constant 128 : i32
      %lt3A_100 = arith.cmpi slt, %add3A_98, %lt3A_99 : i32
      %convert_element_type3A_101 = arith.extui %lt3A_100 : i1 to i32
      %cond3A_102 = arith.constant 0 : i32
      %cond3A_103 = arith.cmpi ne, %convert_element_type3A_101, %cond3A_102 : i32
      scf.if %cond3A_103 {
        %add3A_126 = arith.constant 2 : i32
        %add3A_127 = arith.addi %mul3A_41, %add3A_126 : i32
        %add3A_128 = arith.constant 4 : i32
        %add3A_129 = arith.addi %add3A_127, %add3A_128 : i32
        %dma_start3A_130 = arith.constant 0 : i32
        %dma_start3A_131 = tpu.memref_slice %arg5[%add3A_129, %dma_start3A_130] : memref<128x128xi32, #tpu.memory_space<vmem>> -> memref<1x128xi32, #tpu.memory_space<vmem>>
        %dma_start3A_132 = tpu.memref_squeeze %dma_start3A_131 : memref<1x128xi32, #tpu.memory_space<vmem>> -> memref<128xi32, #tpu.memory_space<vmem>>
        %dma_start3A_133 = arith.constant 0 : i32
        %dma_start3A_134 = arith.constant 0 : i32
        %dma_start3A_135 = tpu.memref_slice %arg2[%dma_start3A_133, %dma_start3A_134] : memref<32768x16xf32, #tpu.memory_space<hbm>> -> memref<32768x16xf32, #tpu.memory_space<hbm>>
        tpu.enqueue_indirect_dma source(%dma_start3A_135 : memref<32768x16xf32, #tpu.memory_space<hbm>>) target(%arg8 : memref<128x16xf32, #tpu.memory_space<vmem>>) offsets(%dma_start3A_132 : memref<128xi32, #tpu.memory_space<vmem>>) semaphore(%arg12 : memref<!tpu.dma_semaphore, #tpu.memory_space<semaphore_mem>>)
      } else {
      }
      %add3A_104 = arith.constant 3 : i32
      %add3A_105 = arith.addi %mul3A_41, %add3A_104 : i32
      %dma_wait3A_106 = arith.constant 0 : i32
      %dma_wait3A_107 = tpu.memref_slice %arg5[%add3A_105, %dma_wait3A_106] : memref<128x128xi32, #tpu.memory_space<vmem>> -> memref<1x128xi32, #tpu.memory_space<vmem>>
      %dma_wait3A_108 = tpu.memref_squeeze %dma_wait3A_107 : memref<1x128xi32, #tpu.memory_space<vmem>> -> memref<128xi32, #tpu.memory_space<vmem>>
      %dma_wait3A_109 = arith.constant 0 : i32
      %dma_wait3A_110 = arith.constant 0 : i32
      %dma_wait3A_111 = tpu.memref_slice %arg2[%dma_wait3A_109, %dma_wait3A_110] : memref<32768x16xf32, #tpu.memory_space<hbm>> -> memref<32768x16xf32, #tpu.memory_space<hbm>>
      tpu.wait_indirect_dma semaphore(%arg13 : memref<!tpu.dma_semaphore, #tpu.memory_space<semaphore_mem>>) src(%dma_wait3A_111 : memref<32768x16xf32, #tpu.memory_space<hbm>>) dst(%arg9 : memref<128x16xf32, #tpu.memory_space<vmem>>)
      %add3A_112 = arith.constant 3 : i32
      %add3A_113 = arith.addi %mul3A_41, %add3A_112 : i32
      %mul3A_114 = arith.constant 128 : i32
      %mul3A_115 = arith.muli %add3A_113, %mul3A_114 : i32
      %add3A_116 = arith.addi %mul3A_6, %mul3A_115 : i32
      "tpu.region"() ({
        %run_scoped3A = tpu.sem_alloc : memref<!tpu.dma_semaphore, #tpu.memory_space<semaphore_mem>>
        %dma_start3A_126 = arith.constant 0 : i32
        %dma_start3A_127 = tpu.memref_slice %arg4[%add3A_116, %dma_start3A_126] : memref<524288x16xf32, #tpu.memory_space<hbm>> -> memref<128x16xf32, #tpu.memory_space<hbm>>
        %dma_start3A_128 = arith.constant 0 : i32
        %dma_start3A_129 = tpu.memref_slice %arg4[%add3A_116, %dma_start3A_128] : memref<524288x16xf32, #tpu.memory_space<hbm>> -> memref<128x16xf32, #tpu.memory_space<hbm>>
        tpu.enqueue_dma source(%arg9 : memref<128x16xf32, #tpu.memory_space<vmem>>) target(%dma_start3A_129 : memref<128x16xf32, #tpu.memory_space<hbm>>) target_semaphore(%run_scoped3A : memref<!tpu.dma_semaphore, #tpu.memory_space<semaphore_mem>>)
        %dma_wait3A_130 = arith.constant 0 : i32
        %dma_wait3A_131 = tpu.memref_slice %arg4[%add3A_116, %dma_wait3A_130] : memref<524288x16xf32, #tpu.memory_space<hbm>> -> memref<128x16xf32, #tpu.memory_space<hbm>>
        %dma_wait3A_132 = arith.constant 0 : i32
        %dma_wait3A_133 = tpu.memref_slice %arg4[%add3A_116, %dma_wait3A_132] : memref<524288x16xf32, #tpu.memory_space<hbm>> -> memref<128x16xf32, #tpu.memory_space<hbm>>
        tpu.wait_dma2 semaphore(%run_scoped3A : memref<!tpu.dma_semaphore, #tpu.memory_space<semaphore_mem>>) src(%arg9 : memref<128x16xf32, #tpu.memory_space<vmem>>) dst(%dma_wait3A_133 : memref<128x16xf32, #tpu.memory_space<hbm>>)
        tpu.yield
      }) : () -> ()
      %add3A_117 = arith.constant 3 : i32
      %add3A_118 = arith.addi %mul3A_41, %add3A_117 : i32
      %add3A_119 = arith.constant 4 : i32
      %add3A_120 = arith.addi %add3A_118, %add3A_119 : i32
      %lt3A_121 = arith.constant 128 : i32
      %lt3A_122 = arith.cmpi slt, %add3A_120, %lt3A_121 : i32
      %convert_element_type3A_123 = arith.extui %lt3A_122 : i1 to i32
      %cond3A_124 = arith.constant 0 : i32
      %cond3A_125 = arith.cmpi ne, %convert_element_type3A_123, %cond3A_124 : i32
      scf.if %cond3A_125 {
        %add3A_126 = arith.constant 3 : i32
        %add3A_127 = arith.addi %mul3A_41, %add3A_126 : i32
        %add3A_128 = arith.constant 4 : i32
        %add3A_129 = arith.addi %add3A_127, %add3A_128 : i32
        %dma_start3A_130 = arith.constant 0 : i32
        %dma_start3A_131 = tpu.memref_slice %arg5[%add3A_129, %dma_start3A_130] : memref<128x128xi32, #tpu.memory_space<vmem>> -> memref<1x128xi32, #tpu.memory_space<vmem>>
        %dma_start3A_132 = tpu.memref_squeeze %dma_start3A_131 : memref<1x128xi32, #tpu.memory_space<vmem>> -> memref<128xi32, #tpu.memory_space<vmem>>
        %dma_start3A_133 = arith.constant 0 : i32
        %dma_start3A_134 = arith.constant 0 : i32
        %dma_start3A_135 = tpu.memref_slice %arg2[%dma_start3A_133, %dma_start3A_134] : memref<32768x16xf32, #tpu.memory_space<hbm>> -> memref<32768x16xf32, #tpu.memory_space<hbm>>
        tpu.enqueue_indirect_dma source(%dma_start3A_135 : memref<32768x16xf32, #tpu.memory_space<hbm>>) target(%arg9 : memref<128x16xf32, #tpu.memory_space<vmem>>) offsets(%dma_start3A_132 : memref<128xi32, #tpu.memory_space<vmem>>) semaphore(%arg13 : memref<!tpu.dma_semaphore, #tpu.memory_space<semaphore_mem>>)
      } else {
      }
    }
    %scan3A_38 = arith.constant 32 : i32
    return
  }
}

module attributes {stable_mosaic.version = 14 : i64} {
  func.func @body(%arg0: memref<8x4096xf32, #tpu.memory_space<vmem>>, %arg1: memref<8x4096xf32, #tpu.memory_space<vmem>>, %arg2: memref<8x4096xf32, #tpu.memory_space<vmem>>, %arg3: memref<8x2048xf32, #tpu.memory_space<vmem>>, %arg4: memref<8x2048xf32, #tpu.memory_space<vmem>>, %arg5: memref<8x2048xf32, #tpu.memory_space<vmem>>, %arg6: memref<8x4096xf32, #tpu.memory_space<vmem>>) attributes {dimension_semantics = [], scalar_prefetch = 0 : i64, scratch_operands = 1 : i64, tpu.core_type = #tpu.core_type<tc>} {
    %broadcast_in_dim3A = arith.constant 1.000000e+10 : f32
    %broadcast_in_dim3A_0 = vector.broadcast %broadcast_in_dim3A : f32 to vector<8x4096xf32>
    %swap3A = arith.constant 0 : index
    %swap3A_1 = arith.constant 0 : index
    %swap3A_2 = vector.load %arg6[%swap3A, %swap3A_1] : memref<8x4096xf32, #tpu.memory_space<vmem>>, vector<8x4096xf32>
    tpu.vector_store %arg6[%swap3A, %swap3A_1], %broadcast_in_dim3A_0 {strides = array<i32>} : memref<8x4096xf32, #tpu.memory_space<vmem>>, vector<8x4096xf32>,
    %iota3A = tpu.iota {dimensions = array<i32: 1>} : vector<8x4096xi32>
    %iota3A_3 = tpu.iota {dimensions = array<i32: 1>} : vector<8x128xi32>
    %get3A = arith.constant 0 : index
    %get3A_4 = arith.constant 0 : index
    %get3A_5 = vector.load %arg0[%get3A, %get3A_4] : memref<8x4096xf32, #tpu.memory_space<vmem>>, vector<8x4096xf32>
    %get3A_6 = arith.constant 0 : index
    %get3A_7 = arith.constant 0 : index
    %get3A_8 = vector.load %arg1[%get3A_6, %get3A_7] : memref<8x4096xf32, #tpu.memory_space<vmem>>, vector<8x4096xf32>
    %get3A_9 = arith.constant 0 : index
    %get3A_10 = arith.constant 0 : index
    %get3A_11 = vector.load %arg2[%get3A_9, %get3A_10] : memref<8x4096xf32, #tpu.memory_space<vmem>>, vector<8x4096xf32>
    %scan3A = arith.constant 0 : i32
    %scan3A_12 = arith.constant 16 : i32
    %scan3A_13 = arith.addi %scan3A, %scan3A_12 : i32
    %scan3A_14 = arith.constant 1 : i32
    scf.for %scan3A_16 = %scan3A to %scan3A_13 step %scan3A_14  : i32 {
      %broadcast_in_dim3A_17 = arith.constant 0.000000e+00 : f32
      %broadcast_in_dim3A_18 = vector.broadcast %broadcast_in_dim3A_17 : f32 to vector<8x128xf32>
      %scan3A_19 = arith.constant 0 : i32
      %scan3A_20 = arith.constant 128 : i32
      %scan3A_21 = arith.addi %scan3A_19, %scan3A_20 : i32
      %scan3A_22 = arith.constant 1 : i32
      %scan3A_23:3 = scf.for %scan3A_35 = %scan3A_19 to %scan3A_21 step %scan3A_22 iter_args(%scan3A_36 = %broadcast_in_dim3A_18, %scan3A_37 = %broadcast_in_dim3A_18, %scan3A_38 = %broadcast_in_dim3A_18) -> (vector<8x128xf32>, vector<8x128xf32>, vector<8x128xf32>)  : i32 {
        %get3A_39 = arith.constant 0 : index
        %get3A_40 = arith.constant 0 : index
        %get3A_41 = vector.load %arg6[%get3A_39, %get3A_40] : memref<8x4096xf32, #tpu.memory_space<vmem>>, vector<8x4096xf32>
        %reduce_max3A = arith.constant dense<0xFF800000> : vector<8xf32>
        %reduce_max3A_42 = vector.multi_reduction <maximumf>, %get3A_41, %reduce_max3A [1] : vector<8x4096xf32> to vector<8xf32>
        %broadcast_in_dim3A_43 = vector.shape_cast %reduce_max3A_42 : vector<8xf32> to vector<8x1xf32>
        %eq3A = vector.broadcast %broadcast_in_dim3A_43 : vector<8x1xf32> to vector<8x4096xf32>
        %eq3A_44 = arith.cmpf oeq, %get3A_41, %eq3A : vector<8x4096xf32>
        %jit3A = arith.constant 4096 : i32
        %broadcast_in_dim3A_45 = vector.broadcast %jit3A : i32 to vector<8x4096xi32>
        %select_n3A = arith.select %eq3A_44, %iota3A, %broadcast_in_dim3A_45 : vector<8x4096xi1>, vector<8x4096xi32>
        %reduce_min3A = arith.constant dense<2147483647> : vector<8xi32>
        %reduce_min3A_46 = vector.multi_reduction <minsi>, %select_n3A, %reduce_min3A [1] : vector<8x4096xi32> to vector<8xi32>
        %broadcast_in_dim3A_47 = vector.shape_cast %reduce_min3A_46 : vector<8xi32> to vector<8x1xi32>
        %eq3A_48 = vector.broadcast %broadcast_in_dim3A_47 : vector<8x1xi32> to vector<8x4096xi32>
        %eq3A_49 = arith.cmpi eq, %iota3A, %eq3A_48 : vector<8x4096xi32>
        %jit3A_50 = arith.constant 0.000000e+00 : f32
        %broadcast_in_dim3A_51 = vector.broadcast %jit3A_50 : f32 to vector<8x4096xf32>
        %select_n3A_52 = arith.select %eq3A_49, %get3A_5, %broadcast_in_dim3A_51 : vector<8x4096xi1>, vector<8x4096xf32>
        %reduce_sum3A = arith.constant dense<0.000000e+00> : vector<8xf32>
        %reduce_sum3A_53 = vector.multi_reduction <add>, %select_n3A_52, %reduce_sum3A [1] : vector<8x4096xf32> to vector<8xf32>
        %broadcast_in_dim3A_54 = vector.shape_cast %reduce_sum3A_53 : vector<8xf32> to vector<8x1xf32>
        %jit3A_55 = arith.constant 0.000000e+00 : f32
        %broadcast_in_dim3A_56 = vector.broadcast %jit3A_55 : f32 to vector<8x4096xf32>
        %select_n3A_57 = arith.select %eq3A_49, %get3A_8, %broadcast_in_dim3A_56 : vector<8x4096xi1>, vector<8x4096xf32>
        %reduce_sum3A_58 = arith.constant dense<0.000000e+00> : vector<8xf32>
        %reduce_sum3A_59 = vector.multi_reduction <add>, %select_n3A_57, %reduce_sum3A_58 [1] : vector<8x4096xf32> to vector<8xf32>
        %broadcast_in_dim3A_60 = vector.shape_cast %reduce_sum3A_59 : vector<8xf32> to vector<8x1xf32>
        %jit3A_61 = arith.constant 0.000000e+00 : f32
        %broadcast_in_dim3A_62 = vector.broadcast %jit3A_61 : f32 to vector<8x4096xf32>
        %select_n3A_63 = arith.select %eq3A_49, %get3A_11, %broadcast_in_dim3A_62 : vector<8x4096xi1>, vector<8x4096xf32>
        %reduce_sum3A_64 = arith.constant dense<0.000000e+00> : vector<8xf32>
        %reduce_sum3A_65 = vector.multi_reduction <add>, %select_n3A_63, %reduce_sum3A_64 [1] : vector<8x4096xf32> to vector<8xf32>
        %broadcast_in_dim3A_66 = vector.shape_cast %reduce_sum3A_65 : vector<8xf32> to vector<8x1xf32>
        %sub3A = vector.broadcast %broadcast_in_dim3A_54 : vector<8x1xf32> to vector<8x4096xf32>
        %sub3A_67 = arith.subf %get3A_5, %sub3A : vector<8x4096xf32>
        %sub3A_68 = vector.broadcast %broadcast_in_dim3A_60 : vector<8x1xf32> to vector<8x4096xf32>
        %sub3A_69 = arith.subf %get3A_8, %sub3A_68 : vector<8x4096xf32>
        %sub3A_70 = vector.broadcast %broadcast_in_dim3A_66 : vector<8x1xf32> to vector<8x4096xf32>
        %sub3A_71 = arith.subf %get3A_11, %sub3A_70 : vector<8x4096xf32>
        %mul3A_72 = arith.mulf %sub3A_67, %sub3A_67 : vector<8x4096xf32>
        %mul3A_73 = arith.mulf %sub3A_69, %sub3A_69 : vector<8x4096xf32>
        %add3A = arith.addf %mul3A_72, %mul3A_73 : vector<8x4096xf32>
        %mul3A_74 = arith.mulf %sub3A_71, %sub3A_71 : vector<8x4096xf32>
        %add3A_75 = arith.addf %add3A, %mul3A_74 : vector<8x4096xf32>
        %min3A = arith.minimumf %get3A_41, %add3A_75 : vector<8x4096xf32>
        %swap3A_76 = arith.constant 0 : index
        %swap3A_77 = arith.constant 0 : index
        %swap3A_78 = vector.load %arg6[%swap3A_76, %swap3A_77] : memref<8x4096xf32, #tpu.memory_space<vmem>>, vector<8x4096xf32>
        tpu.vector_store %arg6[%swap3A_76, %swap3A_77], %min3A {strides = array<i32>} : memref<8x4096xf32, #tpu.memory_space<vmem>>, vector<8x4096xf32>,
        %eq3A_79 = vector.broadcast %scan3A_35 : i32 to vector<8x128xi32>
        %eq3A_80 = arith.cmpi eq, %iota3A_3, %eq3A_79 : vector<8x128xi32>
        %broadcast_in_dim3A_81 = vector.shape_cast %broadcast_in_dim3A_54 : vector<8x1xf32> to vector<8x1xf32>
        %broadcast_in_dim3A_82 = vector.broadcast %broadcast_in_dim3A_81 : vector<8x1xf32> to vector<8x128xf32>
        %select_n3A_83 = arith.select %eq3A_80, %broadcast_in_dim3A_82, %scan3A_36 : vector<8x128xi1>, vector<8x128xf32>
        %broadcast_in_dim3A_84 = vector.shape_cast %broadcast_in_dim3A_60 : vector<8x1xf32> to vector<8x1xf32>
        %broadcast_in_dim3A_85 = vector.broadcast %broadcast_in_dim3A_84 : vector<8x1xf32> to vector<8x128xf32>
        %select_n3A_86 = arith.select %eq3A_80, %broadcast_in_dim3A_85, %scan3A_37 : vector<8x128xi1>, vector<8x128xf32>
        %broadcast_in_dim3A_87 = vector.shape_cast %broadcast_in_dim3A_66 : vector<8x1xf32> to vector<8x1xf32>
        %broadcast_in_dim3A_88 = vector.broadcast %broadcast_in_dim3A_87 : vector<8x1xf32> to vector<8x128xf32>
        %select_n3A_89 = arith.select %eq3A_80, %broadcast_in_dim3A_88, %scan3A_38 : vector<8x128xi1>, vector<8x128xf32>
        scf.yield %select_n3A_83, %select_n3A_86, %select_n3A_89 : vector<8x128xf32>, vector<8x128xf32>, vector<8x128xf32>
      }
      %scan3A_24 = arith.constant 128 : i32
      %mul3A = arith.constant 128 : i32
      %mul3A_25 = arith.muli %scan3A_16, %mul3A : i32
      %multiple_of3A = tpu.assume_multiple %mul3A_25, 128 : i32
      %swap3A_26 = arith.constant 0 : index
      %swap3A_27 = arith.index_cast %multiple_of3A : i32 to index
      %swap3A_28 = vector.load %arg3[%swap3A_26, %swap3A_27] : memref<8x2048xf32, #tpu.memory_space<vmem>>, vector<8x128xf32>
      tpu.vector_store %arg3[%swap3A_26, %swap3A_27], %scan3A_23#0 {strides = array<i32>} : memref<8x2048xf32, #tpu.memory_space<vmem>>, vector<8x128xf32>,
      %swap3A_29 = arith.constant 0 : index
      %swap3A_30 = arith.index_cast %multiple_of3A : i32 to index
      %swap3A_31 = vector.load %arg4[%swap3A_29, %swap3A_30] : memref<8x2048xf32, #tpu.memory_space<vmem>>, vector<8x128xf32>
      tpu.vector_store %arg4[%swap3A_29, %swap3A_30], %scan3A_23#1 {strides = array<i32>} : memref<8x2048xf32, #tpu.memory_space<vmem>>, vector<8x128xf32>,
      %swap3A_32 = arith.constant 0 : index
      %swap3A_33 = arith.index_cast %multiple_of3A : i32 to index
      %swap3A_34 = vector.load %arg5[%swap3A_32, %swap3A_33] : memref<8x2048xf32, #tpu.memory_space<vmem>>, vector<8x128xf32>
      tpu.vector_store %arg5[%swap3A_32, %swap3A_33], %scan3A_23#2 {strides = array<i32>} : memref<8x2048xf32, #tpu.memory_space<vmem>>, vector<8x128xf32>,
    }
    %scan3A_15 = arith.constant 16 : i32
    return
  }
}

module attributes {stable_mosaic.version = 14 : i64} {
  func.func @body(%arg0: i32, %arg1: i32, %arg2: memref<1x8x4096xf32, #tpu.memory_space<vmem>>, %arg3: memref<1x256x8xf32, #tpu.memory_space<vmem>>, %arg4: memref<1x256x32xi32, #tpu.memory_space<vmem>>) attributes {dimension_semantics = [#tpu.dimension_semantics<arbitrary>, #tpu.dimension_semantics<arbitrary>], iteration_bounds = array<i64: 8, 8>, scalar_prefetch = 0 : i64, scratch_operands = 0 : i64, tpu.core_type = #tpu.core_type<tc>, window_params = [{transform_indices = @transform_0, window_bounds = array<i64: 1, 8, 4096>}, {transform_indices = @transform_1, window_bounds = array<i64: 1, 256, 8>}, {transform_indices = @transform_2, window_bounds = array<i64: 1, 256, 32>}]} {
    %get3A = arith.constant 0 : index
    %get3A_0 = arith.constant 0 : index
    %get3A_1 = arith.constant 0 : index
    %get3A_2 = vector.load %arg3[%get3A, %get3A_0, %get3A_1] : memref<1x256x8xf32, #tpu.memory_space<vmem>>, vector<1x256x8xf32>
    %get3A_3 = vector.shape_cast %get3A_2 : vector<1x256x8xf32> to vector<256x8xf32>
    %get3A_4 = arith.constant 0 : index
    %get3A_5 = arith.constant 0 : index
    %get3A_6 = arith.constant 0 : index
    %get3A_7 = vector.load %arg2[%get3A_4, %get3A_5, %get3A_6] : memref<1x8x4096xf32, #tpu.memory_space<vmem>>, vector<1x8x4096xf32>
    %get3A_8 = vector.shape_cast %get3A_7 : vector<1x8x4096xf32> to vector<8x4096xf32>
    %convert_element_type3A = arith.truncf %get3A_3 : vector<256x8xf32> to vector<256x8xbf16>
    %convert_element_type3A_9 = arith.truncf %get3A_8 : vector<8x4096xf32> to vector<8x4096xbf16>
    %dot_general3A = arith.constant dense<0.000000e+00> : vector<256x4096xf32>
    %dot_general3A_10 = tpu.matmul %convert_element_type3A, %convert_element_type3A_9, %dot_general3A {dimension_numbers = #tpu.dot_dimension_numbers<[1], [0], [0], [1], [0, 0, 1, 1], [], []>, transpose_lhs_hint = false} : vector<256x8xbf16>, vector<8x4096xbf16>, vector<256x4096xf32> -> vector<256x4096xf32>
    %mul3A = arith.mulf %get3A_3, %get3A_3 : vector<256x8xf32>
    %reduce_sum3A = arith.constant dense<0.000000e+00> : vector<256xf32>
    %reduce_sum3A_11 = vector.multi_reduction <add>, %mul3A, %reduce_sum3A [1] : vector<256x8xf32> to vector<256xf32>
    %broadcast_in_dim3A = vector.shape_cast %reduce_sum3A_11 : vector<256xf32> to vector<256x1xf32>
    %slice3A = vector.extract_strided_slice %get3A_8 {offsets = [0, 0], sizes = [1, 4096], strides = [1, 1]} : vector<8x4096xf32> to vector<1x4096xf32>
    %slice3A_12 = vector.extract_strided_slice %get3A_8 {offsets = [0, 0], sizes = [1, 4096], strides = [1, 1]} : vector<8x4096xf32> to vector<1x4096xf32>
    %mul3A_13 = arith.mulf %slice3A, %slice3A_12 : vector<1x4096xf32>
    %slice3A_14 = vector.extract_strided_slice %get3A_8 {offsets = [1, 0], sizes = [1, 4096], strides = [1, 1]} : vector<8x4096xf32> to vector<1x4096xf32>
    %slice3A_15 = vector.extract_strided_slice %get3A_8 {offsets = [1, 0], sizes = [1, 4096], strides = [1, 1]} : vector<8x4096xf32> to vector<1x4096xf32>
    %mul3A_16 = arith.mulf %slice3A_14, %slice3A_15 : vector<1x4096xf32>
    %add3A = arith.addf %mul3A_13, %mul3A_16 : vector<1x4096xf32>
    %slice3A_17 = vector.extract_strided_slice %get3A_8 {offsets = [2, 0], sizes = [1, 4096], strides = [1, 1]} : vector<8x4096xf32> to vector<1x4096xf32>
    %slice3A_18 = vector.extract_strided_slice %get3A_8 {offsets = [2, 0], sizes = [1, 4096], strides = [1, 1]} : vector<8x4096xf32> to vector<1x4096xf32>
    %mul3A_19 = arith.mulf %slice3A_17, %slice3A_18 : vector<1x4096xf32>
    %add3A_20 = arith.addf %add3A, %mul3A_19 : vector<1x4096xf32>
    %add3A_21 = vector.broadcast %broadcast_in_dim3A : vector<256x1xf32> to vector<256x4096xf32>
    %add3A_22 = vector.broadcast %add3A_20 : vector<1x4096xf32> to vector<256x4096xf32>
    %add3A_23 = arith.addf %add3A_21, %add3A_22 : vector<256x4096xf32>
    %mul3A_24 = arith.constant 2.000000e+00 : f32
    %mul3A_25 = vector.broadcast %mul3A_24 : f32 to vector<256x4096xf32>
    %mul3A_26 = arith.mulf %mul3A_25, %dot_general3A_10 : vector<256x4096xf32>
    %sub3A = arith.subf %add3A_23, %mul3A_26 : vector<256x4096xf32>
    %iota3A = tpu.iota {dimensions = array<i32: 1>} : vector<256x4096xi32>
    %iota3A_27 = tpu.iota {dimensions = array<i32: 1>} : vector<256x32xi32>
    %le3A = arith.constant 6.250000e-06 : f32
    %le3A_28 = vector.broadcast %le3A : f32 to vector<256x4096xf32>
    %le3A_29 = arith.cmpf ole, %sub3A, %le3A_28 : vector<256x4096xf32>
    %jit3A = arith.constant 4096 : i32
    %broadcast_in_dim3A_30 = vector.broadcast %jit3A : i32 to vector<256x4096xi32>
    %select_n3A = arith.select %le3A_29, %iota3A, %broadcast_in_dim3A_30 : vector<256x4096xi1>, vector<256x4096xi32>
    %broadcast_in_dim3A_31 = arith.constant -1 : i32
    %broadcast_in_dim3A_32 = vector.broadcast %broadcast_in_dim3A_31 : i32 to vector<256x1xi32>
    %broadcast_in_dim3A_33 = arith.constant 4096 : i32
    %broadcast_in_dim3A_34 = vector.broadcast %broadcast_in_dim3A_33 : i32 to vector<256x32xi32>
    %scan3A = arith.constant 4096 : i32
    %scan3A_35 = arith.constant 1 : i32
    %scan3A_36 = arith.constant 0 : i32
    %scan3A_37 = arith.constant 32 : i32
    %scan3A_38 = arith.addi %scan3A_36, %scan3A_37 : i32
    %scan3A_39 = arith.constant 1 : i32
    %scan3A_40:3 = scf.for %scan3A_61 = %scan3A_36 to %scan3A_38 step %scan3A_39 iter_args(%scan3A_62 = %broadcast_in_dim3A_32, %scan3A_63 = %scan3A_35, %scan3A_64 = %broadcast_in_dim3A_34) -> (vector<256x1xi32>, i32, vector<256x32xi32>)  : i32 {
      %ne3A = arith.constant 0 : i32
      %ne3A_65 = arith.cmpi ne, %scan3A_63, %ne3A : i32
      %convert_element_type3A_66 = arith.extui %ne3A_65 : i1 to i32
      %cond3A = arith.constant 0 : i32
      %cond3A_67 = arith.cmpi ne, %convert_element_type3A_66, %cond3A : i32
      %cond3A_68:3 = scf.if %cond3A_67 -> (vector<256x1xi32>, i32, vector<256x32xi32>) {
        %gt3A = vector.broadcast %scan3A_62 : vector<256x1xi32> to vector<256x4096xi32>
        %gt3A_69 = arith.cmpi sgt, %iota3A, %gt3A : vector<256x4096xi32>
        %broadcast_in_dim3A_70 = vector.broadcast %scan3A : i32 to vector<256x4096xi32>
        %select_n3A_71 = arith.select %gt3A_69, %select_n3A, %broadcast_in_dim3A_70 : vector<256x4096xi1>, vector<256x4096xi32>
        %reduce_min3A = arith.constant dense<2147483647> : vector<256xi32>
        %reduce_min3A_72 = vector.multi_reduction <minsi>, %select_n3A_71, %reduce_min3A [1] : vector<256x4096xi32> to vector<256xi32>
        %broadcast_in_dim3A_73 = vector.shape_cast %reduce_min3A_72 : vector<256xi32> to vector<256x1xi32>
        %ne3A_74 = vector.broadcast %scan3A : i32 to vector<256x1xi32>
        %ne3A_75 = arith.cmpi ne, %broadcast_in_dim3A_73, %ne3A_74 : vector<256x1xi32>
        %reduce_or3A = arith.constant 1.000000e+00 : f32
        %reduce_or3A_76 = arith.constant 0.000000e+00 : f32
        %reduce_or3A_77 = vector.broadcast %reduce_or3A : f32 to vector<256x1xf32>
        %reduce_or3A_78 = vector.broadcast %reduce_or3A_76 : f32 to vector<256x1xf32>
        %reduce_or3A_79 = arith.select %ne3A_75, %reduce_or3A_77, %reduce_or3A_78 : vector<256x1xi1>, vector<256x1xf32>
        %reduce_or3A_80 = vector.shape_cast %reduce_or3A_79 : vector<256x1xf32> to vector<1x256x1xf32>
        %reduce_or3A_81 = arith.constant dense<0xFF800000> : vector<1xf32>
        %reduce_or3A_82 = vector.multi_reduction <maximumf>, %reduce_or3A_80, %reduce_or3A_81 [1, 2] : vector<1x256x1xf32> to vector<1xf32>
        %reduce_or3A_83 = vector.shape_cast %reduce_or3A_82 : vector<1xf32> to vector<1x1x1xf32>
        %reduce_or3A_84 = vector.extract %reduce_or3A_83[0, 0, 0] : f32 from vector<1x1x1xf32>
        %reduce_or3A_85 = arith.constant 0.000000e+00 : f32
        %reduce_or3A_86 = arith.cmpf ogt, %reduce_or3A_84, %reduce_or3A_85 : f32
        %convert_element_type3A_87 = arith.extui %reduce_or3A_86 : i1 to i32
        %eq3A_88 = vector.broadcast %scan3A_61 : i32 to vector<256x32xi32>
        %eq3A_89 = arith.cmpi eq, %iota3A_27, %eq3A_88 : vector<256x32xi32>
        %broadcast_in_dim3A_90 = vector.shape_cast %broadcast_in_dim3A_73 : vector<256x1xi32> to vector<256x1xi32>
        %broadcast_in_dim3A_91 = vector.broadcast %broadcast_in_dim3A_90 : vector<256x1xi32> to vector<256x32xi32>
        %select_n3A_92 = arith.select %eq3A_89, %broadcast_in_dim3A_91, %scan3A_64 : vector<256x32xi1>, vector<256x32xi32>
        scf.yield %broadcast_in_dim3A_73, %convert_element_type3A_87, %select_n3A_92 : vector<256x1xi32>, i32, vector<256x32xi32>
      } else {
        %cond3A_69 = arith.constant 0 : i32
        scf.yield %scan3A_62, %cond3A_69, %scan3A_64 : vector<256x1xi32>, i32, vector<256x32xi32>
      }
      scf.yield %cond3A_68#0, %cond3A_68#1, %cond3A_68#2 : vector<256x1xi32>, i32, vector<256x32xi32>
    }
    %scan3A_41 = arith.constant 32 : i32
    %eq3A = arith.constant 4096 : i32
    %eq3A_42 = vector.broadcast %eq3A : i32 to vector<256x32xi32>
    %eq3A_43 = arith.cmpi eq, %scan3A_40#2, %eq3A_42 : vector<256x32xi32>
    %slice3A_44 = vector.extract_strided_slice %scan3A_40#2 {offsets = [0, 0], sizes = [256, 1], strides = [1, 1]} : vector<256x32xi32> to vector<256x1xi32>
    %broadcast_in_dim3A_45 = vector.shape_cast %slice3A_44 : vector<256x1xi32> to vector<256x1xi32>
    %broadcast_in_dim3A_46 = vector.broadcast %broadcast_in_dim3A_45 : vector<256x1xi32> to vector<256x32xi32>
    %select_n3A_47 = arith.select %eq3A_43, %broadcast_in_dim3A_46, %scan3A_40#2 : vector<256x32xi1>, vector<256x32xi32>
    %sub3A_48 = arith.constant 4096 : i32
    %sub3A_49 = arith.constant 1 : i32
    %sub3A_50 = arith.subi %sub3A_48, %sub3A_49 : i32
    %min3A = vector.broadcast %sub3A_50 : i32 to vector<256x32xi32>
    %min3A_51 = arith.minsi %select_n3A_47, %min3A : vector<256x32xi32>
    %mul3A_52 = arith.constant 4096 : i32
    %mul3A_53 = arith.muli %arg0, %mul3A_52 : i32
    %add3A_54 = vector.broadcast %mul3A_53 : i32 to vector<256x32xi32>
    %add3A_55 = arith.addi %min3A_51, %add3A_54 : vector<256x32xi32>
    %swap3A = arith.constant 0 : index
    %swap3A_56 = arith.constant 0 : index
    %swap3A_57 = arith.constant 0 : index
    %swap3A_58 = vector.load %arg4[%swap3A, %swap3A_56, %swap3A_57] : memref<1x256x32xi32, #tpu.memory_space<vmem>>, vector<1x256x32xi32>
    %swap3A_59 = vector.shape_cast %swap3A_58 : vector<1x256x32xi32> to vector<256x32xi32>
    %swap3A_60 = vector.shape_cast %add3A_55 : vector<256x32xi32> to vector<1x256x32xi32>
    tpu.vector_store %arg4[%swap3A, %swap3A_56, %swap3A_57], %swap3A_60 {strides = array<i32>} : memref<1x256x32xi32, #tpu.memory_space<vmem>>, vector<1x256x32xi32>,
    return
  }
  func.func @transform_0(%arg0: i32, %arg1: i32) -> (i32, i32, i32) {
    %c0_i32 = arith.constant 0 : i32
    %c0_i32_0 = arith.constant 0 : i32
    %c0_i32_1 = arith.constant 0 : i32
    return %arg0, %c0_i32, %c0_i32_0 : i32, i32, i32
  }
  func.func @transform_1(%arg0: i32, %arg1: i32) -> (i32, i32, i32) {
    %c0_i32 = arith.constant 0 : i32
    %c0_i32_0 = arith.constant 0 : i32
    return %arg0, %arg1, %c0_i32 : i32, i32, i32
  }
  func.func @transform_2(%arg0: i32, %arg1: i32) -> (i32, i32, i32) {
    %c0_i32 = arith.constant 0 : i32
    %c0_i32_0 = arith.constant 0 : i32
    return %arg0, %arg1, %c0_i32 : i32, i32, i32
  }
}

module attributes {stable_mosaic.version = 14 : i64} {
  func.func @body(%arg0: memref<8x2048xf32, #tpu.memory_space<vmem>>, %arg1: memref<8x2048xf32, #tpu.memory_space<vmem>>, %arg2: memref<8x2048xf32, #tpu.memory_space<vmem>>, %arg3: memref<8x256xf32, #tpu.memory_space<vmem>>, %arg4: memref<8x256xf32, #tpu.memory_space<vmem>>, %arg5: memref<8x256xf32, #tpu.memory_space<vmem>>, %arg6: memref<8x2048xf32, #tpu.memory_space<vmem>>) attributes {dimension_semantics = [], scalar_prefetch = 0 : i64, scratch_operands = 1 : i64, tpu.core_type = #tpu.core_type<tc>} {
    %broadcast_in_dim3A = arith.constant 1.000000e+10 : f32
    %broadcast_in_dim3A_0 = vector.broadcast %broadcast_in_dim3A : f32 to vector<8x2048xf32>
    %swap3A = arith.constant 0 : index
    %swap3A_1 = arith.constant 0 : index
    %swap3A_2 = vector.load %arg6[%swap3A, %swap3A_1] : memref<8x2048xf32, #tpu.memory_space<vmem>>, vector<8x2048xf32>
    tpu.vector_store %arg6[%swap3A, %swap3A_1], %broadcast_in_dim3A_0 {strides = array<i32>} : memref<8x2048xf32, #tpu.memory_space<vmem>>, vector<8x2048xf32>,
    %iota3A = tpu.iota {dimensions = array<i32: 1>} : vector<8x2048xi32>
    %iota3A_3 = tpu.iota {dimensions = array<i32: 1>} : vector<8x128xi32>
    %get3A = arith.constant 0 : index
    %get3A_4 = arith.constant 0 : index
    %get3A_5 = vector.load %arg0[%get3A, %get3A_4] : memref<8x2048xf32, #tpu.memory_space<vmem>>, vector<8x2048xf32>
    %get3A_6 = arith.constant 0 : index
    %get3A_7 = arith.constant 0 : index
    %get3A_8 = vector.load %arg1[%get3A_6, %get3A_7] : memref<8x2048xf32, #tpu.memory_space<vmem>>, vector<8x2048xf32>
    %get3A_9 = arith.constant 0 : index
    %get3A_10 = arith.constant 0 : index
    %get3A_11 = vector.load %arg2[%get3A_9, %get3A_10] : memref<8x2048xf32, #tpu.memory_space<vmem>>, vector<8x2048xf32>
    %scan3A = arith.constant 0 : i32
    %scan3A_12 = arith.constant 2 : i32
    %scan3A_13 = arith.addi %scan3A, %scan3A_12 : i32
    %scan3A_14 = arith.constant 1 : i32
    scf.for %scan3A_16 = %scan3A to %scan3A_13 step %scan3A_14  : i32 {
      %broadcast_in_dim3A_17 = arith.constant 0.000000e+00 : f32
      %broadcast_in_dim3A_18 = vector.broadcast %broadcast_in_dim3A_17 : f32 to vector<8x128xf32>
      %scan3A_19 = arith.constant 0 : i32
      %scan3A_20 = arith.constant 128 : i32
      %scan3A_21 = arith.addi %scan3A_19, %scan3A_20 : i32
      %scan3A_22 = arith.constant 1 : i32
      %scan3A_23:3 = scf.for %scan3A_35 = %scan3A_19 to %scan3A_21 step %scan3A_22 iter_args(%scan3A_36 = %broadcast_in_dim3A_18, %scan3A_37 = %broadcast_in_dim3A_18, %scan3A_38 = %broadcast_in_dim3A_18) -> (vector<8x128xf32>, vector<8x128xf32>, vector<8x128xf32>)  : i32 {
        %get3A_39 = arith.constant 0 : index
        %get3A_40 = arith.constant 0 : index
        %get3A_41 = vector.load %arg6[%get3A_39, %get3A_40] : memref<8x2048xf32, #tpu.memory_space<vmem>>, vector<8x2048xf32>
        %reduce_max3A = arith.constant dense<0xFF800000> : vector<8xf32>
        %reduce_max3A_42 = vector.multi_reduction <maximumf>, %get3A_41, %reduce_max3A [1] : vector<8x2048xf32> to vector<8xf32>
        %broadcast_in_dim3A_43 = vector.shape_cast %reduce_max3A_42 : vector<8xf32> to vector<8x1xf32>
        %eq3A = vector.broadcast %broadcast_in_dim3A_43 : vector<8x1xf32> to vector<8x2048xf32>
        %eq3A_44 = arith.cmpf oeq, %get3A_41, %eq3A : vector<8x2048xf32>
        %jit3A = arith.constant 2048 : i32
        %broadcast_in_dim3A_45 = vector.broadcast %jit3A : i32 to vector<8x2048xi32>
        %select_n3A = arith.select %eq3A_44, %iota3A, %broadcast_in_dim3A_45 : vector<8x2048xi1>, vector<8x2048xi32>
        %reduce_min3A = arith.constant dense<2147483647> : vector<8xi32>
        %reduce_min3A_46 = vector.multi_reduction <minsi>, %select_n3A, %reduce_min3A [1] : vector<8x2048xi32> to vector<8xi32>
        %broadcast_in_dim3A_47 = vector.shape_cast %reduce_min3A_46 : vector<8xi32> to vector<8x1xi32>
        %eq3A_48 = vector.broadcast %broadcast_in_dim3A_47 : vector<8x1xi32> to vector<8x2048xi32>
        %eq3A_49 = arith.cmpi eq, %iota3A, %eq3A_48 : vector<8x2048xi32>
        %jit3A_50 = arith.constant 0.000000e+00 : f32
        %broadcast_in_dim3A_51 = vector.broadcast %jit3A_50 : f32 to vector<8x2048xf32>
        %select_n3A_52 = arith.select %eq3A_49, %get3A_5, %broadcast_in_dim3A_51 : vector<8x2048xi1>, vector<8x2048xf32>
        %reduce_sum3A = arith.constant dense<0.000000e+00> : vector<8xf32>
        %reduce_sum3A_53 = vector.multi_reduction <add>, %select_n3A_52, %reduce_sum3A [1] : vector<8x2048xf32> to vector<8xf32>
        %broadcast_in_dim3A_54 = vector.shape_cast %reduce_sum3A_53 : vector<8xf32> to vector<8x1xf32>
        %jit3A_55 = arith.constant 0.000000e+00 : f32
        %broadcast_in_dim3A_56 = vector.broadcast %jit3A_55 : f32 to vector<8x2048xf32>
        %select_n3A_57 = arith.select %eq3A_49, %get3A_8, %broadcast_in_dim3A_56 : vector<8x2048xi1>, vector<8x2048xf32>
        %reduce_sum3A_58 = arith.constant dense<0.000000e+00> : vector<8xf32>
        %reduce_sum3A_59 = vector.multi_reduction <add>, %select_n3A_57, %reduce_sum3A_58 [1] : vector<8x2048xf32> to vector<8xf32>
        %broadcast_in_dim3A_60 = vector.shape_cast %reduce_sum3A_59 : vector<8xf32> to vector<8x1xf32>
        %jit3A_61 = arith.constant 0.000000e+00 : f32
        %broadcast_in_dim3A_62 = vector.broadcast %jit3A_61 : f32 to vector<8x2048xf32>
        %select_n3A_63 = arith.select %eq3A_49, %get3A_11, %broadcast_in_dim3A_62 : vector<8x2048xi1>, vector<8x2048xf32>
        %reduce_sum3A_64 = arith.constant dense<0.000000e+00> : vector<8xf32>
        %reduce_sum3A_65 = vector.multi_reduction <add>, %select_n3A_63, %reduce_sum3A_64 [1] : vector<8x2048xf32> to vector<8xf32>
        %broadcast_in_dim3A_66 = vector.shape_cast %reduce_sum3A_65 : vector<8xf32> to vector<8x1xf32>
        %sub3A = vector.broadcast %broadcast_in_dim3A_54 : vector<8x1xf32> to vector<8x2048xf32>
        %sub3A_67 = arith.subf %get3A_5, %sub3A : vector<8x2048xf32>
        %sub3A_68 = vector.broadcast %broadcast_in_dim3A_60 : vector<8x1xf32> to vector<8x2048xf32>
        %sub3A_69 = arith.subf %get3A_8, %sub3A_68 : vector<8x2048xf32>
        %sub3A_70 = vector.broadcast %broadcast_in_dim3A_66 : vector<8x1xf32> to vector<8x2048xf32>
        %sub3A_71 = arith.subf %get3A_11, %sub3A_70 : vector<8x2048xf32>
        %mul3A_72 = arith.mulf %sub3A_67, %sub3A_67 : vector<8x2048xf32>
        %mul3A_73 = arith.mulf %sub3A_69, %sub3A_69 : vector<8x2048xf32>
        %add3A = arith.addf %mul3A_72, %mul3A_73 : vector<8x2048xf32>
        %mul3A_74 = arith.mulf %sub3A_71, %sub3A_71 : vector<8x2048xf32>
        %add3A_75 = arith.addf %add3A, %mul3A_74 : vector<8x2048xf32>
        %min3A = arith.minimumf %get3A_41, %add3A_75 : vector<8x2048xf32>
        %swap3A_76 = arith.constant 0 : index
        %swap3A_77 = arith.constant 0 : index
        %swap3A_78 = vector.load %arg6[%swap3A_76, %swap3A_77] : memref<8x2048xf32, #tpu.memory_space<vmem>>, vector<8x2048xf32>
        tpu.vector_store %arg6[%swap3A_76, %swap3A_77], %min3A {strides = array<i32>} : memref<8x2048xf32, #tpu.memory_space<vmem>>, vector<8x2048xf32>,
        %eq3A_79 = vector.broadcast %scan3A_35 : i32 to vector<8x128xi32>
        %eq3A_80 = arith.cmpi eq, %iota3A_3, %eq3A_79 : vector<8x128xi32>
        %broadcast_in_dim3A_81 = vector.shape_cast %broadcast_in_dim3A_54 : vector<8x1xf32> to vector<8x1xf32>
        %broadcast_in_dim3A_82 = vector.broadcast %broadcast_in_dim3A_81 : vector<8x1xf32> to vector<8x128xf32>
        %select_n3A_83 = arith.select %eq3A_80, %broadcast_in_dim3A_82, %scan3A_36 : vector<8x128xi1>, vector<8x128xf32>
        %broadcast_in_dim3A_84 = vector.shape_cast %broadcast_in_dim3A_60 : vector<8x1xf32> to vector<8x1xf32>
        %broadcast_in_dim3A_85 = vector.broadcast %broadcast_in_dim3A_84 : vector<8x1xf32> to vector<8x128xf32>
        %select_n3A_86 = arith.select %eq3A_80, %broadcast_in_dim3A_85, %scan3A_37 : vector<8x128xi1>, vector<8x128xf32>
        %broadcast_in_dim3A_87 = vector.shape_cast %broadcast_in_dim3A_66 : vector<8x1xf32> to vector<8x1xf32>
        %broadcast_in_dim3A_88 = vector.broadcast %broadcast_in_dim3A_87 : vector<8x1xf32> to vector<8x128xf32>
        %select_n3A_89 = arith.select %eq3A_80, %broadcast_in_dim3A_88, %scan3A_38 : vector<8x128xi1>, vector<8x128xf32>
        scf.yield %select_n3A_83, %select_n3A_86, %select_n3A_89 : vector<8x128xf32>, vector<8x128xf32>, vector<8x128xf32>
      }
      %scan3A_24 = arith.constant 128 : i32
      %mul3A = arith.constant 128 : i32
      %mul3A_25 = arith.muli %scan3A_16, %mul3A : i32
      %multiple_of3A = tpu.assume_multiple %mul3A_25, 128 : i32
      %swap3A_26 = arith.constant 0 : index
      %swap3A_27 = arith.index_cast %multiple_of3A : i32 to index
      %swap3A_28 = vector.load %arg3[%swap3A_26, %swap3A_27] : memref<8x256xf32, #tpu.memory_space<vmem>>, vector<8x128xf32>
      tpu.vector_store %arg3[%swap3A_26, %swap3A_27], %scan3A_23#0 {strides = array<i32>} : memref<8x256xf32, #tpu.memory_space<vmem>>, vector<8x128xf32>,
      %swap3A_29 = arith.constant 0 : index
      %swap3A_30 = arith.index_cast %multiple_of3A : i32 to index
      %swap3A_31 = vector.load %arg4[%swap3A_29, %swap3A_30] : memref<8x256xf32, #tpu.memory_space<vmem>>, vector<8x128xf32>
      tpu.vector_store %arg4[%swap3A_29, %swap3A_30], %scan3A_23#1 {strides = array<i32>} : memref<8x256xf32, #tpu.memory_space<vmem>>, vector<8x128xf32>,
      %swap3A_32 = arith.constant 0 : index
      %swap3A_33 = arith.index_cast %multiple_of3A : i32 to index
      %swap3A_34 = vector.load %arg5[%swap3A_32, %swap3A_33] : memref<8x256xf32, #tpu.memory_space<vmem>>, vector<8x128xf32>
      tpu.vector_store %arg5[%swap3A_32, %swap3A_33], %scan3A_23#2 {strides = array<i32>} : memref<8x256xf32, #tpu.memory_space<vmem>>, vector<8x128xf32>,
    }
    %scan3A_15 = arith.constant 2 : i32
    return
  }
}

module attributes {stable_mosaic.version = 14 : i64} {
  func.func @body(%arg0: i32, %arg1: i32, %arg2: memref<1x8x2048xf32, #tpu.memory_space<vmem>>, %arg3: memref<1x256x8xf32, #tpu.memory_space<vmem>>, %arg4: memref<1x256x16xi32, #tpu.memory_space<vmem>>) attributes {dimension_semantics = [#tpu.dimension_semantics<arbitrary>, #tpu.dimension_semantics<arbitrary>], iteration_bounds = array<i64: 8, 1>, scalar_prefetch = 0 : i64, scratch_operands = 0 : i64, tpu.core_type = #tpu.core_type<tc>, window_params = [{transform_indices = @transform_0, window_bounds = array<i64: 1, 8, 2048>}, {transform_indices = @transform_1, window_bounds = array<i64: 1, 256, 8>}, {transform_indices = @transform_2, window_bounds = array<i64: 1, 256, 16>}]} {
    %get3A = arith.constant 0 : index
    %get3A_0 = arith.constant 0 : index
    %get3A_1 = arith.constant 0 : index
    %get3A_2 = vector.load %arg3[%get3A, %get3A_0, %get3A_1] : memref<1x256x8xf32, #tpu.memory_space<vmem>>, vector<1x256x8xf32>
    %get3A_3 = vector.shape_cast %get3A_2 : vector<1x256x8xf32> to vector<256x8xf32>
    %get3A_4 = arith.constant 0 : index
    %get3A_5 = arith.constant 0 : index
    %get3A_6 = arith.constant 0 : index
    %get3A_7 = vector.load %arg2[%get3A_4, %get3A_5, %get3A_6] : memref<1x8x2048xf32, #tpu.memory_space<vmem>>, vector<1x8x2048xf32>
    %get3A_8 = vector.shape_cast %get3A_7 : vector<1x8x2048xf32> to vector<8x2048xf32>
    %convert_element_type3A = arith.truncf %get3A_3 : vector<256x8xf32> to vector<256x8xbf16>
    %convert_element_type3A_9 = arith.truncf %get3A_8 : vector<8x2048xf32> to vector<8x2048xbf16>
    %dot_general3A = arith.constant dense<0.000000e+00> : vector<256x2048xf32>
    %dot_general3A_10 = tpu.matmul %convert_element_type3A, %convert_element_type3A_9, %dot_general3A {dimension_numbers = #tpu.dot_dimension_numbers<[1], [0], [0], [1], [0, 0, 1, 1], [], []>, transpose_lhs_hint = false} : vector<256x8xbf16>, vector<8x2048xbf16>, vector<256x2048xf32> -> vector<256x2048xf32>
    %mul3A = arith.mulf %get3A_3, %get3A_3 : vector<256x8xf32>
    %reduce_sum3A = arith.constant dense<0.000000e+00> : vector<256xf32>
    %reduce_sum3A_11 = vector.multi_reduction <add>, %mul3A, %reduce_sum3A [1] : vector<256x8xf32> to vector<256xf32>
    %broadcast_in_dim3A = vector.shape_cast %reduce_sum3A_11 : vector<256xf32> to vector<256x1xf32>
    %slice3A = vector.extract_strided_slice %get3A_8 {offsets = [0, 0], sizes = [1, 2048], strides = [1, 1]} : vector<8x2048xf32> to vector<1x2048xf32>
    %slice3A_12 = vector.extract_strided_slice %get3A_8 {offsets = [0, 0], sizes = [1, 2048], strides = [1, 1]} : vector<8x2048xf32> to vector<1x2048xf32>
    %mul3A_13 = arith.mulf %slice3A, %slice3A_12 : vector<1x2048xf32>
    %slice3A_14 = vector.extract_strided_slice %get3A_8 {offsets = [1, 0], sizes = [1, 2048], strides = [1, 1]} : vector<8x2048xf32> to vector<1x2048xf32>
    %slice3A_15 = vector.extract_strided_slice %get3A_8 {offsets = [1, 0], sizes = [1, 2048], strides = [1, 1]} : vector<8x2048xf32> to vector<1x2048xf32>
    %mul3A_16 = arith.mulf %slice3A_14, %slice3A_15 : vector<1x2048xf32>
    %add3A = arith.addf %mul3A_13, %mul3A_16 : vector<1x2048xf32>
    %slice3A_17 = vector.extract_strided_slice %get3A_8 {offsets = [2, 0], sizes = [1, 2048], strides = [1, 1]} : vector<8x2048xf32> to vector<1x2048xf32>
    %slice3A_18 = vector.extract_strided_slice %get3A_8 {offsets = [2, 0], sizes = [1, 2048], strides = [1, 1]} : vector<8x2048xf32> to vector<1x2048xf32>
    %mul3A_19 = arith.mulf %slice3A_17, %slice3A_18 : vector<1x2048xf32>
    %add3A_20 = arith.addf %add3A, %mul3A_19 : vector<1x2048xf32>
    %add3A_21 = vector.broadcast %broadcast_in_dim3A : vector<256x1xf32> to vector<256x2048xf32>
    %add3A_22 = vector.broadcast %add3A_20 : vector<1x2048xf32> to vector<256x2048xf32>
    %add3A_23 = arith.addf %add3A_21, %add3A_22 : vector<256x2048xf32>
    %mul3A_24 = arith.constant 2.000000e+00 : f32
    %mul3A_25 = vector.broadcast %mul3A_24 : f32 to vector<256x2048xf32>
    %mul3A_26 = arith.mulf %mul3A_25, %dot_general3A_10 : vector<256x2048xf32>
    %sub3A = arith.subf %add3A_23, %mul3A_26 : vector<256x2048xf32>
    %iota3A = tpu.iota {dimensions = array<i32: 1>} : vector<256x2048xi32>
    %iota3A_27 = tpu.iota {dimensions = array<i32: 1>} : vector<256x16xi32>
    %le3A = arith.constant 2.500000e-05 : f32
    %le3A_28 = vector.broadcast %le3A : f32 to vector<256x2048xf32>
    %le3A_29 = arith.cmpf ole, %sub3A, %le3A_28 : vector<256x2048xf32>
    %jit3A = arith.constant 2048 : i32
    %broadcast_in_dim3A_30 = vector.broadcast %jit3A : i32 to vector<256x2048xi32>
    %select_n3A = arith.select %le3A_29, %iota3A, %broadcast_in_dim3A_30 : vector<256x2048xi1>, vector<256x2048xi32>
    %broadcast_in_dim3A_31 = arith.constant -1 : i32
    %broadcast_in_dim3A_32 = vector.broadcast %broadcast_in_dim3A_31 : i32 to vector<256x1xi32>
    %broadcast_in_dim3A_33 = arith.constant 2048 : i32
    %broadcast_in_dim3A_34 = vector.broadcast %broadcast_in_dim3A_33 : i32 to vector<256x16xi32>
    %scan3A = arith.constant 2048 : i32
    %scan3A_35 = arith.constant 1 : i32
    %scan3A_36 = arith.constant 0 : i32
    %scan3A_37 = arith.constant 16 : i32
    %scan3A_38 = arith.addi %scan3A_36, %scan3A_37 : i32
    %scan3A_39 = arith.constant 1 : i32
    %scan3A_40:3 = scf.for %scan3A_61 = %scan3A_36 to %scan3A_38 step %scan3A_39 iter_args(%scan3A_62 = %broadcast_in_dim3A_32, %scan3A_63 = %scan3A_35, %scan3A_64 = %broadcast_in_dim3A_34) -> (vector<256x1xi32>, i32, vector<256x16xi32>)  : i32 {
      %ne3A = arith.constant 0 : i32
      %ne3A_65 = arith.cmpi ne, %scan3A_63, %ne3A : i32
      %convert_element_type3A_66 = arith.extui %ne3A_65 : i1 to i32
      %cond3A = arith.constant 0 : i32
      %cond3A_67 = arith.cmpi ne, %convert_element_type3A_66, %cond3A : i32
      %cond3A_68:3 = scf.if %cond3A_67 -> (vector<256x1xi32>, i32, vector<256x16xi32>) {
        %gt3A = vector.broadcast %scan3A_62 : vector<256x1xi32> to vector<256x2048xi32>
        %gt3A_69 = arith.cmpi sgt, %iota3A, %gt3A : vector<256x2048xi32>
        %broadcast_in_dim3A_70 = vector.broadcast %scan3A : i32 to vector<256x2048xi32>
        %select_n3A_71 = arith.select %gt3A_69, %select_n3A, %broadcast_in_dim3A_70 : vector<256x2048xi1>, vector<256x2048xi32>
        %reduce_min3A = arith.constant dense<2147483647> : vector<256xi32>
        %reduce_min3A_72 = vector.multi_reduction <minsi>, %select_n3A_71, %reduce_min3A [1] : vector<256x2048xi32> to vector<256xi32>
        %broadcast_in_dim3A_73 = vector.shape_cast %reduce_min3A_72 : vector<256xi32> to vector<256x1xi32>
        %ne3A_74 = vector.broadcast %scan3A : i32 to vector<256x1xi32>
        %ne3A_75 = arith.cmpi ne, %broadcast_in_dim3A_73, %ne3A_74 : vector<256x1xi32>
        %reduce_or3A = arith.constant 1.000000e+00 : f32
        %reduce_or3A_76 = arith.constant 0.000000e+00 : f32
        %reduce_or3A_77 = vector.broadcast %reduce_or3A : f32 to vector<256x1xf32>
        %reduce_or3A_78 = vector.broadcast %reduce_or3A_76 : f32 to vector<256x1xf32>
        %reduce_or3A_79 = arith.select %ne3A_75, %reduce_or3A_77, %reduce_or3A_78 : vector<256x1xi1>, vector<256x1xf32>
        %reduce_or3A_80 = vector.shape_cast %reduce_or3A_79 : vector<256x1xf32> to vector<1x256x1xf32>
        %reduce_or3A_81 = arith.constant dense<0xFF800000> : vector<1xf32>
        %reduce_or3A_82 = vector.multi_reduction <maximumf>, %reduce_or3A_80, %reduce_or3A_81 [1, 2] : vector<1x256x1xf32> to vector<1xf32>
        %reduce_or3A_83 = vector.shape_cast %reduce_or3A_82 : vector<1xf32> to vector<1x1x1xf32>
        %reduce_or3A_84 = vector.extract %reduce_or3A_83[0, 0, 0] : f32 from vector<1x1x1xf32>
        %reduce_or3A_85 = arith.constant 0.000000e+00 : f32
        %reduce_or3A_86 = arith.cmpf ogt, %reduce_or3A_84, %reduce_or3A_85 : f32
        %convert_element_type3A_87 = arith.extui %reduce_or3A_86 : i1 to i32
        %eq3A_88 = vector.broadcast %scan3A_61 : i32 to vector<256x16xi32>
        %eq3A_89 = arith.cmpi eq, %iota3A_27, %eq3A_88 : vector<256x16xi32>
        %broadcast_in_dim3A_90 = vector.shape_cast %broadcast_in_dim3A_73 : vector<256x1xi32> to vector<256x1xi32>
        %broadcast_in_dim3A_91 = vector.broadcast %broadcast_in_dim3A_90 : vector<256x1xi32> to vector<256x16xi32>
        %select_n3A_92 = arith.select %eq3A_89, %broadcast_in_dim3A_91, %scan3A_64 : vector<256x16xi1>, vector<256x16xi32>
        scf.yield %broadcast_in_dim3A_73, %convert_element_type3A_87, %select_n3A_92 : vector<256x1xi32>, i32, vector<256x16xi32>
      } else {
        %cond3A_69 = arith.constant 0 : i32
        scf.yield %scan3A_62, %cond3A_69, %scan3A_64 : vector<256x1xi32>, i32, vector<256x16xi32>
      }
      scf.yield %cond3A_68#0, %cond3A_68#1, %cond3A_68#2 : vector<256x1xi32>, i32, vector<256x16xi32>
    }
    %scan3A_41 = arith.constant 16 : i32
    %eq3A = arith.constant 2048 : i32
    %eq3A_42 = vector.broadcast %eq3A : i32 to vector<256x16xi32>
    %eq3A_43 = arith.cmpi eq, %scan3A_40#2, %eq3A_42 : vector<256x16xi32>
    %slice3A_44 = vector.extract_strided_slice %scan3A_40#2 {offsets = [0, 0], sizes = [256, 1], strides = [1, 1]} : vector<256x16xi32> to vector<256x1xi32>
    %broadcast_in_dim3A_45 = vector.shape_cast %slice3A_44 : vector<256x1xi32> to vector<256x1xi32>
    %broadcast_in_dim3A_46 = vector.broadcast %broadcast_in_dim3A_45 : vector<256x1xi32> to vector<256x16xi32>
    %select_n3A_47 = arith.select %eq3A_43, %broadcast_in_dim3A_46, %scan3A_40#2 : vector<256x16xi1>, vector<256x16xi32>
    %sub3A_48 = arith.constant 2048 : i32
    %sub3A_49 = arith.constant 1 : i32
    %sub3A_50 = arith.subi %sub3A_48, %sub3A_49 : i32
    %min3A = vector.broadcast %sub3A_50 : i32 to vector<256x16xi32>
    %min3A_51 = arith.minsi %select_n3A_47, %min3A : vector<256x16xi32>
    %mul3A_52 = arith.constant 2048 : i32
    %mul3A_53 = arith.muli %arg0, %mul3A_52 : i32
    %add3A_54 = vector.broadcast %mul3A_53 : i32 to vector<256x16xi32>
    %add3A_55 = arith.addi %min3A_51, %add3A_54 : vector<256x16xi32>
    %swap3A = arith.constant 0 : index
    %swap3A_56 = arith.constant 0 : index
    %swap3A_57 = arith.constant 0 : index
    %swap3A_58 = vector.load %arg4[%swap3A, %swap3A_56, %swap3A_57] : memref<1x256x16xi32, #tpu.memory_space<vmem>>, vector<1x256x16xi32>
    %swap3A_59 = vector.shape_cast %swap3A_58 : vector<1x256x16xi32> to vector<256x16xi32>
    %swap3A_60 = vector.shape_cast %add3A_55 : vector<256x16xi32> to vector<1x256x16xi32>
    tpu.vector_store %arg4[%swap3A, %swap3A_56, %swap3A_57], %swap3A_60 {strides = array<i32>} : memref<1x256x16xi32, #tpu.memory_space<vmem>>, vector<1x256x16xi32>,
    return
  }
  func.func @transform_0(%arg0: i32, %arg1: i32) -> (i32, i32, i32) {
    %c0_i32 = arith.constant 0 : i32
    %c0_i32_0 = arith.constant 0 : i32
    %c0_i32_1 = arith.constant 0 : i32
    return %arg0, %c0_i32, %c0_i32_0 : i32, i32, i32
  }
  func.func @transform_1(%arg0: i32, %arg1: i32) -> (i32, i32, i32) {
    %c0_i32 = arith.constant 0 : i32
    %c0_i32_0 = arith.constant 0 : i32
    return %arg0, %arg1, %c0_i32 : i32, i32, i32
  }
  func.func @transform_2(%arg0: i32, %arg1: i32) -> (i32, i32, i32) {
    %c0_i32 = arith.constant 0 : i32
    %c0_i32_0 = arith.constant 0 : i32
    return %arg0, %arg1, %c0_i32 : i32, i32, i32
  }
}

module attributes {stable_mosaic.version = 14 : i64} {
  func.func @body(%arg0: i32, %arg1: i32, %arg2: memref<1x8192x16xf32, #tpu.memory_space<vmem>>, %arg3: memref<1x256x16xf32, #tpu.memory_space<vmem>>, %arg4: memref<16x128xf32, #tpu.memory_space<vmem>>, %arg5: memref<1x128xf32, #tpu.memory_space<vmem>>, %arg6: memref<8x128xf32, #tpu.memory_space<vmem>>) attributes {dimension_semantics = [#tpu.dimension_semantics<arbitrary>, #tpu.dimension_semantics<arbitrary>], iteration_bounds = array<i64: 8, 8>, scalar_prefetch = 0 : i64, scratch_operands = 0 : i64, tpu.core_type = #tpu.core_type<tc>, window_params = [{transform_indices = @transform_0, window_bounds = array<i64: 1, 8192, 16>}, {transform_indices = @transform_1, window_bounds = array<i64: 1, 256, 16>}, {pipeline_mode = #tpu.pipeline_mode<synchronous>, transform_indices = @transform_2, window_bounds = array<i64: 16, 128>}, {pipeline_mode = #tpu.pipeline_mode<synchronous>, transform_indices = @transform_3, window_bounds = array<i64: 1, 128>}, {pipeline_mode = #tpu.pipeline_mode<synchronous>, transform_indices = @transform_4, window_bounds = array<i64: 8, 128>}]} {
    %get3A = arith.constant 0 : index
    %get3A_0 = arith.constant 0 : index
    %get3A_1 = arith.constant 0 : index
    %get3A_2 = vector.load %arg2[%get3A, %get3A_0, %get3A_1] : memref<1x8192x16xf32, #tpu.memory_space<vmem>>, vector<1x8192x16xf32>
    %get3A_3 = vector.shape_cast %get3A_2 : vector<1x8192x16xf32> to vector<8192x16xf32>
    %reshape3A = vector.shape_cast %get3A_3 : vector<8192x16xf32> to vector<256x32x16xf32>
    %get3A_4 = arith.constant 0 : index
    %get3A_5 = arith.constant 0 : index
    %get3A_6 = arith.constant 0 : index
    %get3A_7 = vector.load %arg3[%get3A_4, %get3A_5, %get3A_6] : memref<1x256x16xf32, #tpu.memory_space<vmem>>, vector<1x256x16xf32>
    %get3A_8 = vector.shape_cast %get3A_7 : vector<1x256x16xf32> to vector<256x16xf32>
    %broadcast_in_dim3A = vector.shape_cast %get3A_8 : vector<256x16xf32> to vector<256x1x16xf32>
    %sub3A = vector.broadcast %broadcast_in_dim3A : vector<256x1x16xf32> to vector<256x32x16xf32>
    %sub3A_9 = arith.subf %reshape3A, %sub3A : vector<256x32x16xf32>
    %reshape3A_10 = vector.shape_cast %sub3A_9 : vector<256x32x16xf32> to vector<8192x16xf32>
    %get3A_11 = arith.constant 0 : index
    %get3A_12 = arith.constant 0 : index
    %get3A_13 = vector.load %arg4[%get3A_11, %get3A_12] : memref<16x128xf32, #tpu.memory_space<vmem>>, vector<16x128xf32>
    %dot_general3A = arith.constant dense<0.000000e+00> : vector<8192x128xf32>
    %dot_general3A_14 = tpu.matmul %reshape3A_10, %get3A_13, %dot_general3A {dimension_numbers = #tpu.dot_dimension_numbers<[1], [0], [0], [1], [0, 0, 1, 1], [], []>, transpose_lhs_hint = false} : vector<8192x16xf32>, vector<16x128xf32>, vector<8192x128xf32> -> vector<8192x128xf32>
    %get3A_15 = arith.constant 0 : index
    %get3A_16 = arith.constant 0 : index
    %get3A_17 = vector.load %arg5[%get3A_15, %get3A_16] : memref<1x128xf32, #tpu.memory_space<vmem>>, vector<1x128xf32>
    %add3A = vector.broadcast %get3A_17 : vector<1x128xf32> to vector<8192x128xf32>
    %add3A_18 = arith.addf %dot_general3A_14, %add3A : vector<8192x128xf32>
    %eq3A = arith.constant 0 : i32
    %eq3A_19 = arith.cmpi eq, %arg0, %eq3A : i32
    %eq3A_20 = arith.constant 0 : i32
    %eq3A_21 = arith.cmpi eq, %arg1, %eq3A_20 : i32
    %and3A = arith.andi %eq3A_19, %eq3A_21 : i1
    %convert_element_type3A = arith.extui %and3A : i1 to i32
    %cond3A = arith.constant 0 : i32
    %cond3A_22 = arith.cmpi ne, %convert_element_type3A, %cond3A : i32
    scf.if %cond3A_22 {
      %broadcast_in_dim3A_36 = arith.constant 0.000000e+00 : f32
      %broadcast_in_dim3A_37 = vector.broadcast %broadcast_in_dim3A_36 : f32 to vector<8x128xf32>
      %swap3A_38 = arith.constant 0 : index
      %swap3A_39 = arith.constant 0 : index
      %swap3A_40 = vector.load %arg6[%swap3A_38, %swap3A_39] : memref<8x128xf32, #tpu.memory_space<vmem>>, vector<8x128xf32>
      tpu.vector_store %arg6[%swap3A_38, %swap3A_39], %broadcast_in_dim3A_37 {strides = array<i32>} : memref<8x128xf32, #tpu.memory_space<vmem>>, vector<8x128xf32>,
    } else {
    }
    %reduce_sum3A = arith.constant dense<0.000000e+00> : vector<128xf32>
    %reduce_sum3A_23 = vector.multi_reduction <add>, %add3A_18, %reduce_sum3A [0] : vector<8192x128xf32> to vector<128xf32>
    %broadcast_in_dim3A_24 = vector.shape_cast %reduce_sum3A_23 : vector<128xf32> to vector<1x128xf32>
    %mul3A = arith.mulf %add3A_18, %add3A_18 : vector<8192x128xf32>
    %reduce_sum3A_25 = arith.constant dense<0.000000e+00> : vector<128xf32>
    %reduce_sum3A_26 = vector.multi_reduction <add>, %mul3A, %reduce_sum3A_25 [0] : vector<8192x128xf32> to vector<128xf32>
    %broadcast_in_dim3A_27 = vector.shape_cast %reduce_sum3A_26 : vector<128xf32> to vector<1x128xf32>
    %broadcast_in_dim3A_28 = arith.constant 0.000000e+00 : f32
    %broadcast_in_dim3A_29 = vector.broadcast %broadcast_in_dim3A_28 : f32 to vector<6x128xf32>
    %concatenate3A = tpu.concatenate %broadcast_in_dim3A_24, %broadcast_in_dim3A_27, %broadcast_in_dim3A_29 in 0 : vector<1x128xf32>, vector<1x128xf32>, vector<6x128xf32> -> vector<8x128xf32>
    %get3A_30 = arith.constant 0 : index
    %get3A_31 = arith.constant 0 : index
    %get3A_32 = vector.load %arg6[%get3A_30, %get3A_31] : memref<8x128xf32, #tpu.memory_space<vmem>>, vector<8x128xf32>
    %add3A_33 = arith.addf %get3A_32, %concatenate3A : vector<8x128xf32>
    %swap3A = arith.constant 0 : index
    %swap3A_34 = arith.constant 0 : index
    %swap3A_35 = vector.load %arg6[%swap3A, %swap3A_34] : memref<8x128xf32, #tpu.memory_space<vmem>>, vector<8x128xf32>
    tpu.vector_store %arg6[%swap3A, %swap3A_34], %add3A_33 {strides = array<i32>} : memref<8x128xf32, #tpu.memory_space<vmem>>, vector<8x128xf32>,
    return
  }
  func.func @transform_0(%arg0: i32, %arg1: i32) -> (i32, i32, i32) {
    %c0_i32 = arith.constant 0 : i32
    %c0_i32_0 = arith.constant 0 : i32
    return %arg0, %arg1, %c0_i32 : i32, i32, i32
  }
  func.func @transform_1(%arg0: i32, %arg1: i32) -> (i32, i32, i32) {
    %c0_i32 = arith.constant 0 : i32
    %c0_i32_0 = arith.constant 0 : i32
    return %arg0, %arg1, %c0_i32 : i32, i32, i32
  }
  func.func @transform_2(%arg0: i32, %arg1: i32) -> (i32, i32) {
    %c0_i32 = arith.constant 0 : i32
    %c0_i32_0 = arith.constant 0 : i32
    %c0_i32_1 = arith.constant 0 : i32
    return %c0_i32, %c0_i32_0 : i32, i32
  }
  func.func @transform_3(%arg0: i32, %arg1: i32) -> (i32, i32) {
    %c0_i32 = arith.constant 0 : i32
    %c0_i32_0 = arith.constant 0 : i32
    %c0_i32_1 = arith.constant 0 : i32
    return %c0_i32, %c0_i32_0 : i32, i32
  }
  func.func @transform_4(%arg0: i32, %arg1: i32) -> (i32, i32) {
    %c0_i32 = arith.constant 0 : i32
    %c0_i32_0 = arith.constant 0 : i32
    %c0_i32_1 = arith.constant 0 : i32
    return %c0_i32, %c0_i32_0 : i32, i32
  }
}

module attributes {stable_mosaic.version = 14 : i64} {
  func.func @body(%arg0: i32, %arg1: i32, %arg2: memref<1x8192x16xf32, #tpu.memory_space<vmem>>, %arg3: memref<1x256x16xf32, #tpu.memory_space<vmem>>, %arg4: memref<16x128xf32, #tpu.memory_space<vmem>>, %arg5: memref<1x128xf32, #tpu.memory_space<vmem>>, %arg6: memref<1x128xf32, #tpu.memory_space<vmem>>, %arg7: memref<1x128xf32, #tpu.memory_space<vmem>>, %arg8: memref<1x128xf32, #tpu.memory_space<vmem>>, %arg9: memref<1x256x144xf32, #tpu.memory_space<vmem>>) attributes {dimension_semantics = [#tpu.dimension_semantics<arbitrary>, #tpu.dimension_semantics<arbitrary>], iteration_bounds = array<i64: 8, 8>, scalar_prefetch = 0 : i64, scratch_operands = 0 : i64, tpu.core_type = #tpu.core_type<tc>, window_params = [{transform_indices = @transform_0, window_bounds = array<i64: 1, 8192, 16>}, {transform_indices = @transform_1, window_bounds = array<i64: 1, 256, 16>}, {pipeline_mode = #tpu.pipeline_mode<synchronous>, transform_indices = @transform_2, window_bounds = array<i64: 16, 128>}, {pipeline_mode = #tpu.pipeline_mode<synchronous>, transform_indices = @transform_3, window_bounds = array<i64: 1, 128>}, {pipeline_mode = #tpu.pipeline_mode<synchronous>, transform_indices = @transform_4, window_bounds = array<i64: 1, 128>}, {pipeline_mode = #tpu.pipeline_mode<synchronous>, transform_indices = @transform_5, window_bounds = array<i64: 1, 128>}, {pipeline_mode = #tpu.pipeline_mode<synchronous>, transform_indices = @transform_6, window_bounds = array<i64: 1, 128>}, {transform_indices = @transform_7, window_bounds = array<i64: 1, 256, 144>}]} {
    %get3A = arith.constant 0 : index
    %get3A_0 = arith.constant 0 : index
    %get3A_1 = arith.constant 0 : index
    %get3A_2 = vector.load %arg3[%get3A, %get3A_0, %get3A_1] : memref<1x256x16xf32, #tpu.memory_space<vmem>>, vector<1x256x16xf32>
    %get3A_3 = vector.shape_cast %get3A_2 : vector<1x256x16xf32> to vector<256x16xf32>
    %get3A_4 = arith.constant 0 : index
    %get3A_5 = arith.constant 0 : index
    %get3A_6 = arith.constant 0 : index
    %get3A_7 = vector.load %arg2[%get3A_4, %get3A_5, %get3A_6] : memref<1x8192x16xf32, #tpu.memory_space<vmem>>, vector<1x8192x16xf32>
    %get3A_8 = vector.shape_cast %get3A_7 : vector<1x8192x16xf32> to vector<8192x16xf32>
    %reshape3A = vector.shape_cast %get3A_8 : vector<8192x16xf32> to vector<256x32x16xf32>
    %broadcast_in_dim3A = vector.shape_cast %get3A_3 : vector<256x16xf32> to vector<256x1x16xf32>
    %sub3A = vector.broadcast %broadcast_in_dim3A : vector<256x1x16xf32> to vector<256x32x16xf32>
    %sub3A_9 = arith.subf %reshape3A, %sub3A : vector<256x32x16xf32>
    %reshape3A_10 = vector.shape_cast %sub3A_9 : vector<256x32x16xf32> to vector<8192x16xf32>
    %get3A_11 = arith.constant 0 : index
    %get3A_12 = arith.constant 0 : index
    %get3A_13 = vector.load %arg4[%get3A_11, %get3A_12] : memref<16x128xf32, #tpu.memory_space<vmem>>, vector<16x128xf32>
    %dot_general3A = arith.constant dense<0.000000e+00> : vector<8192x128xf32>
    %dot_general3A_14 = tpu.matmul %reshape3A_10, %get3A_13, %dot_general3A {dimension_numbers = #tpu.dot_dimension_numbers<[1], [0], [0], [1], [0, 0, 1, 1], [], []>, transpose_lhs_hint = false} : vector<8192x16xf32>, vector<16x128xf32>, vector<8192x128xf32> -> vector<8192x128xf32>
    %get3A_15 = arith.constant 0 : index
    %get3A_16 = arith.constant 0 : index
    %get3A_17 = vector.load %arg5[%get3A_15, %get3A_16] : memref<1x128xf32, #tpu.memory_space<vmem>>, vector<1x128xf32>
    %add3A = vector.broadcast %get3A_17 : vector<1x128xf32> to vector<8192x128xf32>
    %add3A_18 = arith.addf %dot_general3A_14, %add3A : vector<8192x128xf32>
    %get3A_19 = arith.constant 0 : index
    %get3A_20 = arith.constant 0 : index
    %get3A_21 = vector.load %arg6[%get3A_19, %get3A_20] : memref<1x128xf32, #tpu.memory_space<vmem>>, vector<1x128xf32>
    %sub3A_22 = vector.broadcast %get3A_21 : vector<1x128xf32> to vector<8192x128xf32>
    %sub3A_23 = arith.subf %add3A_18, %sub3A_22 : vector<8192x128xf32>
    %get3A_24 = arith.constant 0 : index
    %get3A_25 = arith.constant 0 : index
    %get3A_26 = vector.load %arg7[%get3A_24, %get3A_25] : memref<1x128xf32, #tpu.memory_space<vmem>>, vector<1x128xf32>
    %mul3A = vector.broadcast %get3A_26 : vector<1x128xf32> to vector<8192x128xf32>
    %mul3A_27 = arith.mulf %sub3A_23, %mul3A : vector<8192x128xf32>
    %get3A_28 = arith.constant 0 : index
    %get3A_29 = arith.constant 0 : index
    %get3A_30 = vector.load %arg8[%get3A_28, %get3A_29] : memref<1x128xf32, #tpu.memory_space<vmem>>, vector<1x128xf32>
    %add3A_31 = vector.broadcast %get3A_30 : vector<1x128xf32> to vector<8192x128xf32>
    %add3A_32 = arith.addf %mul3A_27, %add3A_31 : vector<8192x128xf32>
    %max3A = arith.constant 0.000000e+00 : f32
    %max3A_33 = vector.broadcast %max3A : f32 to vector<8192x128xf32>
    %max3A_34 = arith.maximumf %add3A_32, %max3A_33 : vector<8192x128xf32>
    %reshape3A_35 = vector.shape_cast %max3A_34 : vector<8192x128xf32> to vector<256x32x128xf32>
    %reduce_max3A = arith.constant dense<0xFF800000> : vector<256x128xf32>
    %reduce_max3A_36 = vector.multi_reduction <maximumf>, %reshape3A_35, %reduce_max3A [1] : vector<256x32x128xf32> to vector<256x128xf32>
    %slice3A = vector.extract_strided_slice %get3A_3 {offsets = [0, 0], sizes = [256, 3], strides = [1, 1]} : vector<256x16xf32> to vector<256x3xf32>
    %broadcast_in_dim3A_37 = arith.constant 0.000000e+00 : f32
    %broadcast_in_dim3A_38 = vector.broadcast %broadcast_in_dim3A_37 : f32 to vector<256x13xf32>
    %concatenate3A = tpu.concatenate %slice3A, %reduce_max3A_36, %broadcast_in_dim3A_38 in 1 : vector<256x3xf32>, vector<256x128xf32>, vector<256x13xf32> -> vector<256x144xf32>
    %swap3A = arith.constant 0 : index
    %swap3A_39 = arith.constant 0 : index
    %swap3A_40 = arith.constant 0 : index
    %swap3A_41 = vector.load %arg9[%swap3A, %swap3A_39, %swap3A_40] : memref<1x256x144xf32, #tpu.memory_space<vmem>>, vector<1x256x144xf32>
    %swap3A_42 = vector.shape_cast %swap3A_41 : vector<1x256x144xf32> to vector<256x144xf32>
    %swap3A_43 = vector.shape_cast %concatenate3A : vector<256x144xf32> to vector<1x256x144xf32>
    tpu.vector_store %arg9[%swap3A, %swap3A_39, %swap3A_40], %swap3A_43 {strides = array<i32>} : memref<1x256x144xf32, #tpu.memory_space<vmem>>, vector<1x256x144xf32>,
    return
  }
  func.func @transform_0(%arg0: i32, %arg1: i32) -> (i32, i32, i32) {
    %c0_i32 = arith.constant 0 : i32
    %c0_i32_0 = arith.constant 0 : i32
    return %arg0, %arg1, %c0_i32 : i32, i32, i32
  }
  func.func @transform_1(%arg0: i32, %arg1: i32) -> (i32, i32, i32) {
    %c0_i32 = arith.constant 0 : i32
    %c0_i32_0 = arith.constant 0 : i32
    return %arg0, %arg1, %c0_i32 : i32, i32, i32
  }
  func.func @transform_2(%arg0: i32, %arg1: i32) -> (i32, i32) {
    %c0_i32 = arith.constant 0 : i32
    %c0_i32_0 = arith.constant 0 : i32
    %c0_i32_1 = arith.constant 0 : i32
    return %c0_i32, %c0_i32_0 : i32, i32
  }
  func.func @transform_3(%arg0: i32, %arg1: i32) -> (i32, i32) {
    %c0_i32 = arith.constant 0 : i32
    %c0_i32_0 = arith.constant 0 : i32
    %c0_i32_1 = arith.constant 0 : i32
    return %c0_i32, %c0_i32_0 : i32, i32
  }
  func.func @transform_4(%arg0: i32, %arg1: i32) -> (i32, i32) {
    %c0_i32 = arith.constant 0 : i32
    %c0_i32_0 = arith.constant 0 : i32
    %c0_i32_1 = arith.constant 0 : i32
    return %c0_i32, %c0_i32_0 : i32, i32
  }
  func.func @transform_5(%arg0: i32, %arg1: i32) -> (i32, i32) {
    %c0_i32 = arith.constant 0 : i32
    %c0_i32_0 = arith.constant 0 : i32
    %c0_i32_1 = arith.constant 0 : i32
    return %c0_i32, %c0_i32_0 : i32, i32
  }
  func.func @transform_6(%arg0: i32, %arg1: i32) -> (i32, i32) {
    %c0_i32 = arith.constant 0 : i32
    %c0_i32_0 = arith.constant 0 : i32
    %c0_i32_1 = arith.constant 0 : i32
    return %c0_i32, %c0_i32_0 : i32, i32
  }
  func.func @transform_7(%arg0: i32, %arg1: i32) -> (i32, i32, i32) {
    %c0_i32 = arith.constant 0 : i32
    %c0_i32_0 = arith.constant 0 : i32
    return %arg0, %arg1, %c0_i32 : i32, i32, i32
  }
}

module attributes {stable_mosaic.version = 14 : i64} {
  func.func @body(%arg0: i32, %arg1: i32, %arg2: memref<1x4096x144xf32, #tpu.memory_space<vmem>>, %arg3: memref<1x256x144xf32, #tpu.memory_space<vmem>>, %arg4: memref<144x704xf32, #tpu.memory_space<vmem>>, %arg5: memref<1x704xf32, #tpu.memory_space<vmem>>, %arg6: memref<8x704xf32, #tpu.memory_space<vmem>>) attributes {dimension_semantics = [#tpu.dimension_semantics<arbitrary>, #tpu.dimension_semantics<arbitrary>], iteration_bounds = array<i64: 8, 1>, scalar_prefetch = 0 : i64, scratch_operands = 0 : i64, tpu.core_type = #tpu.core_type<tc>, window_params = [{transform_indices = @transform_0, window_bounds = array<i64: 1, 4096, 144>}, {transform_indices = @transform_1, window_bounds = array<i64: 1, 256, 144>}, {pipeline_mode = #tpu.pipeline_mode<synchronous>, transform_indices = @transform_2, window_bounds = array<i64: 144, 704>}, {pipeline_mode = #tpu.pipeline_mode<synchronous>, transform_indices = @transform_3, window_bounds = array<i64: 1, 704>}, {pipeline_mode = #tpu.pipeline_mode<synchronous>, transform_indices = @transform_4, window_bounds = array<i64: 8, 704>}]} {
    %get3A = arith.constant 0 : index
    %get3A_0 = arith.constant 0 : index
    %get3A_1 = arith.constant 0 : index
    %get3A_2 = vector.load %arg2[%get3A, %get3A_0, %get3A_1] : memref<1x4096x144xf32, #tpu.memory_space<vmem>>, vector<1x4096x144xf32>
    %get3A_3 = vector.shape_cast %get3A_2 : vector<1x4096x144xf32> to vector<4096x144xf32>
    %reshape3A = vector.shape_cast %get3A_3 : vector<4096x144xf32> to vector<256x16x144xf32>
    %get3A_4 = arith.constant 0 : index
    %get3A_5 = arith.constant 0 : index
    %get3A_6 = arith.constant 0 : index
    %get3A_7 = vector.load %arg3[%get3A_4, %get3A_5, %get3A_6] : memref<1x256x144xf32, #tpu.memory_space<vmem>>, vector<1x256x144xf32>
    %get3A_8 = vector.shape_cast %get3A_7 : vector<1x256x144xf32> to vector<256x144xf32>
    %broadcast_in_dim3A = vector.shape_cast %get3A_8 : vector<256x144xf32> to vector<256x1x144xf32>
    %sub3A = vector.broadcast %broadcast_in_dim3A : vector<256x1x144xf32> to vector<256x16x144xf32>
    %sub3A_9 = arith.subf %reshape3A, %sub3A : vector<256x16x144xf32>
    %reshape3A_10 = vector.shape_cast %sub3A_9 : vector<256x16x144xf32> to vector<4096x144xf32>
    %get3A_11 = arith.constant 0 : index
    %get3A_12 = arith.constant 0 : index
    %get3A_13 = vector.load %arg4[%get3A_11, %get3A_12] : memref<144x704xf32, #tpu.memory_space<vmem>>, vector<144x704xf32>
    %dot_general3A = arith.constant dense<0.000000e+00> : vector<4096x704xf32>
    %dot_general3A_14 = tpu.matmul %reshape3A_10, %get3A_13, %dot_general3A {dimension_numbers = #tpu.dot_dimension_numbers<[1], [0], [0], [1], [0, 0, 1, 1], [], []>, transpose_lhs_hint = false} : vector<4096x144xf32>, vector<144x704xf32>, vector<4096x704xf32> -> vector<4096x704xf32>
    %get3A_15 = arith.constant 0 : index
    %get3A_16 = arith.constant 0 : index
    %get3A_17 = vector.load %arg5[%get3A_15, %get3A_16] : memref<1x704xf32, #tpu.memory_space<vmem>>, vector<1x704xf32>
    %add3A = vector.broadcast %get3A_17 : vector<1x704xf32> to vector<4096x704xf32>
    %add3A_18 = arith.addf %dot_general3A_14, %add3A : vector<4096x704xf32>
    %eq3A = arith.constant 0 : i32
    %eq3A_19 = arith.cmpi eq, %arg0, %eq3A : i32
    %eq3A_20 = arith.constant 0 : i32
    %eq3A_21 = arith.cmpi eq, %arg1, %eq3A_20 : i32
    %and3A = arith.andi %eq3A_19, %eq3A_21 : i1
    %convert_element_type3A = arith.extui %and3A : i1 to i32
    %cond3A = arith.constant 0 : i32
    %cond3A_22 = arith.cmpi ne, %convert_element_type3A, %cond3A : i32
    scf.if %cond3A_22 {
      %broadcast_in_dim3A_36 = arith.constant 0.000000e+00 : f32
      %broadcast_in_dim3A_37 = vector.broadcast %broadcast_in_dim3A_36 : f32 to vector<8x704xf32>
      %swap3A_38 = arith.constant 0 : index
      %swap3A_39 = arith.constant 0 : index
      %swap3A_40 = vector.load %arg6[%swap3A_38, %swap3A_39] : memref<8x704xf32, #tpu.memory_space<vmem>>, vector<8x704xf32>
      tpu.vector_store %arg6[%swap3A_38, %swap3A_39], %broadcast_in_dim3A_37 {strides = array<i32>} : memref<8x704xf32, #tpu.memory_space<vmem>>, vector<8x704xf32>,
    } else {
    }
    %reduce_sum3A = arith.constant dense<0.000000e+00> : vector<704xf32>
    %reduce_sum3A_23 = vector.multi_reduction <add>, %add3A_18, %reduce_sum3A [0] : vector<4096x704xf32> to vector<704xf32>
    %broadcast_in_dim3A_24 = vector.shape_cast %reduce_sum3A_23 : vector<704xf32> to vector<1x704xf32>
    %mul3A = arith.mulf %add3A_18, %add3A_18 : vector<4096x704xf32>
    %reduce_sum3A_25 = arith.constant dense<0.000000e+00> : vector<704xf32>
    %reduce_sum3A_26 = vector.multi_reduction <add>, %mul3A, %reduce_sum3A_25 [0] : vector<4096x704xf32> to vector<704xf32>
    %broadcast_in_dim3A_27 = vector.shape_cast %reduce_sum3A_26 : vector<704xf32> to vector<1x704xf32>
    %broadcast_in_dim3A_28 = arith.constant 0.000000e+00 : f32
    %broadcast_in_dim3A_29 = vector.broadcast %broadcast_in_dim3A_28 : f32 to vector<6x704xf32>
    %concatenate3A = tpu.concatenate %broadcast_in_dim3A_24, %broadcast_in_dim3A_27, %broadcast_in_dim3A_29 in 0 : vector<1x704xf32>, vector<1x704xf32>, vector<6x704xf32> -> vector<8x704xf32>
    %get3A_30 = arith.constant 0 : index
    %get3A_31 = arith.constant 0 : index
    %get3A_32 = vector.load %arg6[%get3A_30, %get3A_31] : memref<8x704xf32, #tpu.memory_space<vmem>>, vector<8x704xf32>
    %add3A_33 = arith.addf %get3A_32, %concatenate3A : vector<8x704xf32>
    %swap3A = arith.constant 0 : index
    %swap3A_34 = arith.constant 0 : index
    %swap3A_35 = vector.load %arg6[%swap3A, %swap3A_34] : memref<8x704xf32, #tpu.memory_space<vmem>>, vector<8x704xf32>
    tpu.vector_store %arg6[%swap3A, %swap3A_34], %add3A_33 {strides = array<i32>} : memref<8x704xf32, #tpu.memory_space<vmem>>, vector<8x704xf32>,
    return
  }
  func.func @transform_0(%arg0: i32, %arg1: i32) -> (i32, i32, i32) {
    %c0_i32 = arith.constant 0 : i32
    %c0_i32_0 = arith.constant 0 : i32
    return %arg0, %arg1, %c0_i32 : i32, i32, i32
  }
  func.func @transform_1(%arg0: i32, %arg1: i32) -> (i32, i32, i32) {
    %c0_i32 = arith.constant 0 : i32
    %c0_i32_0 = arith.constant 0 : i32
    return %arg0, %arg1, %c0_i32 : i32, i32, i32
  }
  func.func @transform_2(%arg0: i32, %arg1: i32) -> (i32, i32) {
    %c0_i32 = arith.constant 0 : i32
    %c0_i32_0 = arith.constant 0 : i32
    %c0_i32_1 = arith.constant 0 : i32
    return %c0_i32, %c0_i32_0 : i32, i32
  }
  func.func @transform_3(%arg0: i32, %arg1: i32) -> (i32, i32) {
    %c0_i32 = arith.constant 0 : i32
    %c0_i32_0 = arith.constant 0 : i32
    %c0_i32_1 = arith.constant 0 : i32
    return %c0_i32, %c0_i32_0 : i32, i32
  }
  func.func @transform_4(%arg0: i32, %arg1: i32) -> (i32, i32) {
    %c0_i32 = arith.constant 0 : i32
    %c0_i32_0 = arith.constant 0 : i32
    %c0_i32_1 = arith.constant 0 : i32
    return %c0_i32, %c0_i32_0 : i32, i32
  }
}

module attributes {stable_mosaic.version = 14 : i64} {
  func.func @body(%arg0: i32, %arg1: i32, %arg2: memref<1x4096x144xf32, #tpu.memory_space<vmem>>, %arg3: memref<1x256x144xf32, #tpu.memory_space<vmem>>, %arg4: memref<144x704xf32, #tpu.memory_space<vmem>>, %arg5: memref<1x704xf32, #tpu.memory_space<vmem>>, %arg6: memref<1x704xf32, #tpu.memory_space<vmem>>, %arg7: memref<1x704xf32, #tpu.memory_space<vmem>>, %arg8: memref<1x704xf32, #tpu.memory_space<vmem>>, %arg9: memref<1x256x704xf32, #tpu.memory_space<vmem>>) attributes {dimension_semantics = [#tpu.dimension_semantics<arbitrary>, #tpu.dimension_semantics<arbitrary>], iteration_bounds = array<i64: 8, 1>, scalar_prefetch = 0 : i64, scratch_operands = 0 : i64, tpu.core_type = #tpu.core_type<tc>, window_params = [{transform_indices = @transform_0, window_bounds = array<i64: 1, 4096, 144>}, {transform_indices = @transform_1, window_bounds = array<i64: 1, 256, 144>}, {pipeline_mode = #tpu.pipeline_mode<synchronous>, transform_indices = @transform_2, window_bounds = array<i64: 144, 704>}, {pipeline_mode = #tpu.pipeline_mode<synchronous>, transform_indices = @transform_3, window_bounds = array<i64: 1, 704>}, {pipeline_mode = #tpu.pipeline_mode<synchronous>, transform_indices = @transform_4, window_bounds = array<i64: 1, 704>}, {pipeline_mode = #tpu.pipeline_mode<synchronous>, transform_indices = @transform_5, window_bounds = array<i64: 1, 704>}, {pipeline_mode = #tpu.pipeline_mode<synchronous>, transform_indices = @transform_6, window_bounds = array<i64: 1, 704>}, {transform_indices = @transform_7, window_bounds = array<i64: 1, 256, 704>}]} {
    %get3A = arith.constant 0 : index
    %get3A_0 = arith.constant 0 : index
    %get3A_1 = arith.constant 0 : index
    %get3A_2 = vector.load %arg3[%get3A, %get3A_0, %get3A_1] : memref<1x256x144xf32, #tpu.memory_space<vmem>>, vector<1x256x144xf32>
    %get3A_3 = vector.shape_cast %get3A_2 : vector<1x256x144xf32> to vector<256x144xf32>
    %get3A_4 = arith.constant 0 : index
    %get3A_5 = arith.constant 0 : index
    %get3A_6 = arith.constant 0 : index
    %get3A_7 = vector.load %arg2[%get3A_4, %get3A_5, %get3A_6] : memref<1x4096x144xf32, #tpu.memory_space<vmem>>, vector<1x4096x144xf32>
    %get3A_8 = vector.shape_cast %get3A_7 : vector<1x4096x144xf32> to vector<4096x144xf32>
    %reshape3A = vector.shape_cast %get3A_8 : vector<4096x144xf32> to vector<256x16x144xf32>
    %broadcast_in_dim3A = vector.shape_cast %get3A_3 : vector<256x144xf32> to vector<256x1x144xf32>
    %sub3A = vector.broadcast %broadcast_in_dim3A : vector<256x1x144xf32> to vector<256x16x144xf32>
    %sub3A_9 = arith.subf %reshape3A, %sub3A : vector<256x16x144xf32>
    %reshape3A_10 = vector.shape_cast %sub3A_9 : vector<256x16x144xf32> to vector<4096x144xf32>
    %get3A_11 = arith.constant 0 : index
    %get3A_12 = arith.constant 0 : index
    %get3A_13 = vector.load %arg4[%get3A_11, %get3A_12] : memref<144x704xf32, #tpu.memory_space<vmem>>, vector<144x704xf32>
    %dot_general3A = arith.constant dense<0.000000e+00> : vector<4096x704xf32>
    %dot_general3A_14 = tpu.matmul %reshape3A_10, %get3A_13, %dot_general3A {dimension_numbers = #tpu.dot_dimension_numbers<[1], [0], [0], [1], [0, 0, 1, 1], [], []>, transpose_lhs_hint = false} : vector<4096x144xf32>, vector<144x704xf32>, vector<4096x704xf32> -> vector<4096x704xf32>
    %get3A_15 = arith.constant 0 : index
    %get3A_16 = arith.constant 0 : index
    %get3A_17 = vector.load %arg5[%get3A_15, %get3A_16] : memref<1x704xf32, #tpu.memory_space<vmem>>, vector<1x704xf32>
    %add3A = vector.broadcast %get3A_17 : vector<1x704xf32> to vector<4096x704xf32>
    %add3A_18 = arith.addf %dot_general3A_14, %add3A : vector<4096x704xf32>
    %get3A_19 = arith.constant 0 : index
    %get3A_20 = arith.constant 0 : index
    %get3A_21 = vector.load %arg6[%get3A_19, %get3A_20] : memref<1x704xf32, #tpu.memory_space<vmem>>, vector<1x704xf32>
    %sub3A_22 = vector.broadcast %get3A_21 : vector<1x704xf32> to vector<4096x704xf32>
    %sub3A_23 = arith.subf %add3A_18, %sub3A_22 : vector<4096x704xf32>
    %get3A_24 = arith.constant 0 : index
    %get3A_25 = arith.constant 0 : index
    %get3A_26 = vector.load %arg7[%get3A_24, %get3A_25] : memref<1x704xf32, #tpu.memory_space<vmem>>, vector<1x704xf32>
    %mul3A = vector.broadcast %get3A_26 : vector<1x704xf32> to vector<4096x704xf32>
    %mul3A_27 = arith.mulf %sub3A_23, %mul3A : vector<4096x704xf32>
    %get3A_28 = arith.constant 0 : index
    %get3A_29 = arith.constant 0 : index
    %get3A_30 = vector.load %arg8[%get3A_28, %get3A_29] : memref<1x704xf32, #tpu.memory_space<vmem>>, vector<1x704xf32>
    %add3A_31 = vector.broadcast %get3A_30 : vector<1x704xf32> to vector<4096x704xf32>
    %add3A_32 = arith.addf %mul3A_27, %add3A_31 : vector<4096x704xf32>
    %max3A = arith.constant 0.000000e+00 : f32
    %max3A_33 = vector.broadcast %max3A : f32 to vector<4096x704xf32>
    %max3A_34 = arith.maximumf %add3A_32, %max3A_33 : vector<4096x704xf32>
    %reshape3A_35 = vector.shape_cast %max3A_34 : vector<4096x704xf32> to vector<256x16x704xf32>
    %reduce_max3A = arith.constant dense<0xFF800000> : vector<256x704xf32>
    %reduce_max3A_36 = vector.multi_reduction <maximumf>, %reshape3A_35, %reduce_max3A [1] : vector<256x16x704xf32> to vector<256x704xf32>
    %swap3A = arith.constant 0 : index
    %swap3A_37 = arith.constant 0 : index
    %swap3A_38 = arith.constant 0 : index
    %swap3A_39 = vector.load %arg9[%swap3A, %swap3A_37, %swap3A_38] : memref<1x256x704xf32, #tpu.memory_space<vmem>>, vector<1x256x704xf32>
    %swap3A_40 = vector.shape_cast %swap3A_39 : vector<1x256x704xf32> to vector<256x704xf32>
    %swap3A_41 = vector.shape_cast %reduce_max3A_36 : vector<256x704xf32> to vector<1x256x704xf32>
    tpu.vector_store %arg9[%swap3A, %swap3A_37, %swap3A_38], %swap3A_41 {strides = array<i32>} : memref<1x256x704xf32, #tpu.memory_space<vmem>>, vector<1x256x704xf32>,
    return
  }
  func.func @transform_0(%arg0: i32, %arg1: i32) -> (i32, i32, i32) {
    %c0_i32 = arith.constant 0 : i32
    %c0_i32_0 = arith.constant 0 : i32
    return %arg0, %arg1, %c0_i32 : i32, i32, i32
  }
  func.func @transform_1(%arg0: i32, %arg1: i32) -> (i32, i32, i32) {
    %c0_i32 = arith.constant 0 : i32
    %c0_i32_0 = arith.constant 0 : i32
    return %arg0, %arg1, %c0_i32 : i32, i32, i32
  }
  func.func @transform_2(%arg0: i32, %arg1: i32) -> (i32, i32) {
    %c0_i32 = arith.constant 0 : i32
    %c0_i32_0 = arith.constant 0 : i32
    %c0_i32_1 = arith.constant 0 : i32
    return %c0_i32, %c0_i32_0 : i32, i32
  }
  func.func @transform_3(%arg0: i32, %arg1: i32) -> (i32, i32) {
    %c0_i32 = arith.constant 0 : i32
    %c0_i32_0 = arith.constant 0 : i32
    %c0_i32_1 = arith.constant 0 : i32
    return %c0_i32, %c0_i32_0 : i32, i32
  }
  func.func @transform_4(%arg0: i32, %arg1: i32) -> (i32, i32) {
    %c0_i32 = arith.constant 0 : i32
    %c0_i32_0 = arith.constant 0 : i32
    %c0_i32_1 = arith.constant 0 : i32
    return %c0_i32, %c0_i32_0 : i32, i32
  }
  func.func @transform_5(%arg0: i32, %arg1: i32) -> (i32, i32) {
    %c0_i32 = arith.constant 0 : i32
    %c0_i32_0 = arith.constant 0 : i32
    %c0_i32_1 = arith.constant 0 : i32
    return %c0_i32, %c0_i32_0 : i32, i32
  }
  func.func @transform_6(%arg0: i32, %arg1: i32) -> (i32, i32) {
    %c0_i32 = arith.constant 0 : i32
    %c0_i32_0 = arith.constant 0 : i32
    %c0_i32_1 = arith.constant 0 : i32
    return %c0_i32, %c0_i32_0 : i32, i32
  }
  func.func @transform_7(%arg0: i32, %arg1: i32) -> (i32, i32, i32) {
    %c0_i32 = arith.constant 0 : i32
    %c0_i32_0 = arith.constant 0 : i32
    return %arg0, %arg1, %c0_i32 : i32, i32, i32
  }
}

</mosaic_0001>

<sc_bundles>
// kernel: kernel.12.cloned.1.call-start
scs
__scs_entry_jumppad:
0x0: {  	(pc) =	sbr.rel $0x88, $3  }
0x1: {  	(tag) =	ssettag $0x0;
	lr =	simm.s32 $0x1  }
0x2: {  	[smem:$0x3F98] =	sst lr;
	_ =	strace $0xD0000000  }
0x3: {  	_ = 	snop  }
0x4: {  	_ = 	snop  }
0x5: {  	_ = 	snop  }
0x6: {  	_ = 	snop  }
0x7: {  	_ = 	snop  }
__scs_overlays_trampoline_lowered:
0x8: {  	[smem:$0x3FA7] =	sst s0  }
0x9: {  	[smem:$0x3FA8] =	sst s1  }
0xa: {  	[smem:$0x3FA9] =	sst s2  }
0xb: {  	[smem:$0x3FAA] =	sst s3  }
0xc: {  	[smem:$0x3FAB] =	sst s4  }
0xd: {  	[smem:$0x3FAC] =	sst s5  }
0xe: {  	[smem:$0x3FAD] =	sst s6  }
0xf: {  	[smem:$0x3FAE] =	sst s7  }
0x10: {  	[smem:$0x3FAF] =	sst s8  }
0x11: {  	[smem:$0x3FB0] =	sst s9;
	s0 =	simm.s32 @!p0 $0x0  }
0x12: {  	s1 =	sld [smem:$0x3F96];
	s0 =	simm.s32 @p0 $0x1  }
0x13: {  	[smem:$0x3FB1] =	sst s0;
	s0 =	simm.s32 @!p1 $0x0  }
0x14: {  	s2 =	sld [smem:$0x3F95];
	s0 =	simm.s32 @p1 $0x1  }
0x15: {  	[smem:$0x3FB2] =	sst s0;
	s0 =	simm.s32 @!p2 $0x0  }
0x16: {  	s3 =	sld [smem:$0x3FDB];
	s0 =	simm.s32 @p2 $0x1  }
0x17: {  	s4 =	simm.s32 $0x1BF5;
	[smem:$0x3FB4] =	sst s0  }
0x18: {  	s0 =	sld [smem:$0x3F97];
	_ =	swait.ge [sflag:s4], $0x0  }
0x19: {  	s7 =	sld [smem:$0x3F98]  }
0x1a: {  	s8 =	sadd.s32 $0xFFFFE003, lr  }
0x1b: {  	s9 =	sadd.s32 $0xFFFFFEF7, lr;
	s5 =	simm.s32 $0xFFFFFFFF;
	p2 =	slt.u32 s8, $0xFFFFF086  }
0x1c: {  	p1 =	slt.u32 s9, $0xF7A;
	s5 =	simm.s32 @!p2 $0x0  }
0x1d: {  	s5 =	simm.s32 @p1 $0x1;
	p0 =	seq.s32 s7, s2  }
0x1e: {  	s7 =	smul.u32 @!p0 $0xF7A, s2;
	p2 =	seq.s32 @!p0 s5, $0x0  }
0x1f: {  	s9 =	smul.u32 $0xF7A, s1;
	s8 =	simm.s32 @!p0 $0x1BF5;
	p2 =	por !p2, p0  }
0x20: {  	[sflag:s8] =	ssyncset.s32 @!p0 $0xFFFFF086;
	s6 =	sadd.s32 @!p0 s3, s7;
	s7 =	simm.s32 @!p0 $0x108  }
0x21: {  	s3 =	sadd.s32 s3, s9;
	s6 =	sadd.s32 @!p0 $0x88, s6;
	s7 =	simm.s32 @p2 $0x1082  }
0x22: {  	[simem:s7], [sflag:s8] =	dma.local @!p0 [hbm:s6], $0xF7A  }
0x23: {  	s9 =	sor.u32 $0xD0000000, s2;
	s6 =	simm.s32 $0x108;
	_ =	swait.ge @!p0 [sflag:s8], $0x0  }
0x24: {  	s3 =	sadd.s32 $0x88, s3;
	s6 =	simm.s32 @!p1 $0x1082;
	[sflag:s4] =	ssyncset.s32 $0xFFFFF086  }
0x25: {  	[simem:s6], [sflag:s4] =	dma.local [hbm:s3], $0xF7A  }
0x26: {  	[smem:$0x3F98] =	sst s1;
	(tag) =	ssettag s2;
	_ =	strace s9  }
0x27: {  	s1 =	sld [smem:$0x3FA8]  }
0x28: {  	s2 =	sld [smem:$0x3FA9]  }
0x29: {  	s4 =	sld [smem:$0x3FAB]  }
0x2a: {  	p0 =	seq.s32 s5, $0x0;
	s5 =	sld [smem:$0x3FAC]  }
0x2b: {  	s6 =	sld [smem:$0x3FAD]  }
0x2c: {  	s7 =	sld [smem:$0x3FAE]  }
0x2d: {  	s3 =	simm.s32 $0x108;
	s8 =	sld [smem:$0x3FAF]  }
0x2e: {  	s3 =	simm.s32 @!p0 $0x1082;
	s9 =	sld [smem:$0x3FB0]  }
0x2f: {  	lr =	sadd.s32 s0, s3;
	s0 =	sld [smem:$0x3FA7]  }
0x30: {  	s3 =	sld [smem:$0x3FAA]  }
0x31: {  	[smem:$0x3FB3] =	sst s10  }
0x32: {  	s10 =	sld [smem:$0x3FB1];
	_ =	sdelay $0x3  }
0x33: {  	p0 =	seq.s32 s10, $0x1;
	s10 =	sld [smem:$0x3FB3];
	_ =	sdelay $0x3  }
0x34: {  	[smem:$0x3FB3] =	sst s10  }
0x35: {  	s10 =	sld [smem:$0x3FB2];
	_ =	sdelay $0x3  }
0x36: {  	p1 =	seq.s32 s10, $0x1;
	s10 =	sld [smem:$0x3FB3];
	_ =	sdelay $0x3  }
0x37: {  	[smem:$0x3FB3] =	sst s10  }
0x38: {  	s10 =	sld [smem:$0x3FB4]  }
0x39: {  	_ = 	snop;
	(pc) =	sbr.ind lr, $3  }
0x3a: {  	_ = 	snop  }
0x3b: {  	_ = 	snop  }
0x3c: {  	p2 =	seq.s32 s10, $0x1;
	s10 =	sld [smem:$0x3FB3]  }
0x3d: {  	_ =	shalt  }
0x3e: {  	_ =	shalt  }
0x3f: {  	_ =	shalt  }
0x40: {  	_ =	shalt  }
0x41: {  	_ =	shalt  }
0x42: {  	_ =	shalt  }
0x43: {  	_ =	shalt  }
0x44: {  	_ =	shalt  }
0x45: {  	_ =	shalt  }
0x46: {  	_ =	shalt  }
0x47: {  	_ =	shalt  }
0x48: {  	_ =	shalt  }
0x49: {  	_ =	shalt  }
0x4a: {  	_ =	shalt  }
0x4b: {  	_ =	shalt  }
0x4c: {  	_ =	shalt  }
0x4d: {  	_ =	shalt  }
0x4e: {  	_ =	shalt  }
0x4f: {  	_ =	shalt  }
0x50: {  	_ =	shalt  }
0x51: {  	_ =	shalt  }
0x52: {  	_ =	shalt  }
0x53: {  	_ =	shalt  }
0x54: {  	_ =	shalt  }
0x55: {  	_ =	shalt  }
0x56: {  	_ =	shalt  }
0x57: {  	_ =	shalt  }
0x58: {  	_ =	shalt  }
0x59: {  	_ =	shalt  }
0x5a: {  	_ =	shalt  }
0x5b: {  	_ =	shalt  }
0x5c: {  	_ =	shalt  }
0x5d: {  	_ =	shalt  }
0x5e: {  	_ =	shalt  }
0x5f: {  	_ =	shalt  }
0x60: {  	_ =	shalt  }
0x61: {  	_ =	shalt  }
0x62: {  	_ =	shalt  }
0x63: {  	_ =	shalt  }
0x64: {  	_ =	shalt  }
0x65: {  	_ =	shalt  }
0x66: {  	_ =	shalt  }
0x67: {  	_ =	shalt  }
0x68: {  	_ =	shalt  }
0x69: {  	_ =	shalt  }
0x6a: {  	_ =	shalt  }
0x6b: {  	_ =	shalt  }
0x6c: {  	_ =	shalt  }
0x6d: {  	_ =	shalt  }
0x6e: {  	_ =	shalt  }
0x6f: {  	_ =	shalt  }
0x70: {  	_ =	shalt  }
0x71: {  	_ =	shalt  }
0x72: {  	_ =	shalt  }
0x73: {  	_ =	shalt  }
0x74: {  	_ =	shalt  }
0x75: {  	_ =	shalt  }
0x76: {  	_ =	shalt  }
0x77: {  	_ =	shalt  }
0x78: {  	_ =	shalt  }
0x79: {  	_ =	shalt  }
0x7a: {  	_ =	shalt  }
0x7b: {  	_ =	shalt  }
0x7c: {  	_ =	shalt  }
0x7d: {  	_ =	shalt  }
0x7e: {  	_ =	shalt  }
0x7f: {  	_ =	shalt  }
0x80: {  	_ =	shalt  }
0x81: {  	_ =	shalt  }
0x82: {  	_ =	shalt  }
0x83: {  	_ =	shalt  }
0x84: {  	_ =	shalt  }
0x85: {  	_ =	shalt  }
0x86: {  	_ =	shalt  }
0x87: {  	_ =	shalt  }
.Lfunc_end0:
.L_simem_size_0:
called_computation_lowered:
.L_overlay_start_0:
0x88: {  	s2 =	sld [smem:$0x3FD9]  }
0x89: {  	s3 =	sld [smem:$0x3FFE];
	_ =	sdelay $0x1  }
0x8a: {  	s1 =	srdreg.scid  }
0x8b: {  	s0 =	sand.u32 $0x1, s1  }
0x8c: {  	s14 =	sshll.u32 s0, $0xA;
	s2 =	sadd.s32 s3, s2  }
0x8d: {  	s2 =	sadd.s32 s2, s14  }
0x8e: {  	[smem:$0x3FBF] =	sst s2  }
0x8f: {  	_ = 	snop  }
0x90: {  	s2 =	sld [smem:$0x3FD0];
	_ =	sdelay $0x2  }
0x91: {  	s15 =	simm.s32 $0xA;
	s4 =	simm.s32 $0x10  }
0x92: {  	[smem:s4], [sflag:s15] =	dma.local [hbm:s2], $0x1  }
0x93: {  	_ =	swait.eq [sflag:s15], $0x1  }
0x94: {  	[sflag:s15] =	ssyncset.done $0x0  }
0x95: {  	[sflag:s15] =	ssyncadd.s32 $0xFFFFFFFF  }
0x96: {  	s16 =	sld [smem:$0x11];
	(tm) =	ssettm $0x1  }
0x97: {  	s17 =	sld [smem:$0x3FFB];
	_ =	sdelay $0x3  }
0x98: {  	_ =	strace s17  }
0x99: {  	s3 =	sld [smem:$0x3FFC];
	_ =	sdelay $0x3  }
0x9a: {  	_ =	strace s3  }
0x9b: {  	s3 =	sld [smem:$0x3FFD];
	_ =	sdelay $0x3  }
0x9c: {  	_ =	strace s3  }
0x9d: {  	_ =	strace $0x8FFFFFFF  }
0x9e: {  	s18 =	sld [smem:$0x3FDB];
	_ =	sdelay $0x1  }
0x9f: {  	s19 =	simm.s32 $_scs_section_size  }
0xa0: {  	s5 =	simm.s32 $_size__tile_overlayer_lowered;
	s6 =	simm.s32 $_tile_overlayer_lowered  }
0xa1: {  	s22 =	simm.s32 $0x1BFF;
	s21 =	sshll.u32 s6, $0x1;
	s3 =	sadd.s32 s19, s18  }
0xa2: {  	s7 =	simm.s32 $0x0;
	s20 =	sshll.u32 s5, $0x1;
	s5 =	sadd.s32 s21, s3  }
0xa3: {  	[timem:s7], [sflag:s22] =	dma.local [hbm:s5], s20  }
0xa4: {  	_ =	swait.ge [sflag:s22], s20  }
0xa5: {  	s4 =	ssub.s32 $0x0, s20;
	[sflag:s22] =	ssyncset.done $0x0  }
0xa6: {  	[sflag:s22] =	ssyncadd.s32 s4;
	_ =	sdelay $0x1  }
0xa7: {  	s23 =	simm.s32 $0x1B8B  }
0xa8: {  	_ =	swait.ge [sflag:s23], $0x1  }
0xa9: {  	[sflag:s23] =	ssyncset.done $0x0  }
0xaa: {  	s25 =	simm.s32 $0x1B8E;
	s24 =	sld [smem:$0x3FFE];
	[sflag:s23] =	ssyncadd.s32 $0xFFFFFFFF  }
0xab: {  	s26 =	simm.s32 $execute0_lowered;
	[smem:$0x3FD2] =	sst s25  }
0xac: {  	s5 =	sshll.u32 s26, $0x1;
	_ =	strace $0x80000046;
	[dreg:$0x1] =	wrdreg $0xFFFFFFFF  }
0xad: {  	s28 =	simm.s32 $_size_execute0_lowered;
	s3 =	sadd.s32 s3, s5;
	[dreg:$0x0] =	wrdreg $0x0  }
0xae: {  	s5 =	sshll.u32 s28, $0x1;
	[dreg:$0x2] =	wrdreg s3  }
0xaf: {  	[dreg:$0x3] =	wrdreg s5  }
0xb0: {  	[dreg:$0x4] =	wrdreg $0xC0  }
0xb1: {  	_ =	task [dreg:s7], $0x5FFFF  }
0xb2: {  	[dreg:$0x1] =	wrdreg $0xFFFFFFFF  }
0xb3: {  	[dreg:$0x0] =	wrdreg $0x60  }
0xb4: {  	[dreg:$0x2] =	wrdreg s16  }
0xb5: {  	[dreg:$0x3] =	wrdreg s24  }
0xb6: {  	[dreg:$0x4] =	wrdreg $0x9  }
0xb7: {  	_ =	task.clear_ibuf [dreg:s7], $0x5FFFF;
	_ =	strace $0x90000046  }
0xb8: {  	s29 =	simm.s32 $0x9;
	_ =	strace $0x80000048  }
0xb9: {  	_ =	swait.ge [sflag:s29], $0x1  }
0xba: {  	[sflag:s29] =	ssyncadd.s32 $0xFFFFFFFF  }
0xbb: {  	_ =	strace $0x90000048  }
0xbc: {  	_ =	sfence  }
0xbd: {  	s30 =	sld [smem:$0x0];
	_ =	sdelay $0x2  }
0xbe: {  	s31 =	sshll.u32 s1, $0xD;
	s1 =	sshrl.u32 s1, $0x2  }
0xbf: {  	s3 =	sand.u32 $0x4000, s31;
	s1 =	sadd.s32 s1, s30  }
0xc0: {  	s0 =	sor.u32 s3, s0;
	s1 =	sshll.u32 s1, $0x11  }
0xc1: {  	s0 =	sor.u32 s1, s0  }
0xc2: {  	s0 =	sadd.s32 $0x8F2B, s0  }
0xc3: {  	[sflag:s0] =	ssyncadd.remote.s32 $0x1  }
0xc4: {  	_ =	sfence.sel $0xFFFF  }
0xc5: {  	[dreg:$0x0] =	wrdreg $0xFFFFFFFF;
	(pc) =	sbr.abs _section_cstart, $3  }
0xc6: {  	[dreg:$0x1] =	wrdreg $0xFFFFFFFF  }
0xc7: {  	_ =	task.clear_ibuf [dreg:s7], $0x2FFFF;
	_ =	strace $0x9FFFFFFF  }
0xc8: {  	(tm) =	ssettm $0x7FFFFFFF  }
0xc9: {  	_ =	shalt  }
tec
execute0_lowered:
.L_overlay_start_1:
0x0: {  	(tag) =	ssettag $0x1  }
0x1: {  	s2 =	rddreg [dreg:$0x0];
	s1 =	srdreg.scid  }
0x2: {  	s0 =	stileid.u32;
	s4 =	rddreg [dreg:$0x1]  }
0x3: {  	s3 =	simm.s32 $0x0;
	s16 =	simm.s32 $0x4000;
	s17 =	simm.s32 $0x4800  }
0x4: {  	s18 =	simm.s32 $0x100;
	s19 =	simm.s32 $0x5000;
	s20 =	simm.s32 $0x180  }
0x5: {  	s21 =	simm.s32 $0x5800;
	s22 =	simm.s32 $0x1;
	s23 =	simm.s32 $0x2  }
0x6: {  	s24 =	simm.s32 $0x3;
	s25 =	simm.s32 $0x4;
	s26 =	simm.s32 $0x0  }
0x7: {  	s6 =	sand.u32 $0x1, s1;
	s5 =	sshll.u32 s0, $0x1;
	[smem:$0x7FF] =	sst s3  }
0x8: {  	s12 =	sadd.s32 $0x92800, s4;
	s13 =	sshll.u32 s0, $0x10;
	s5 =	sor.u32 s6, s5  }
0x9: {  	_ =	strace $0x80000047;
	s8 =	ssub.s32 $0x2, s6;
	s14 =	sshll.u32 s6, $0xF  }
0xa: {  	s7 =	sshll.u32 s5, $0xB;
	s31 =	sshrl.u32 s8, $0x1;
	s5 =	sshll.u32 s5, $0xF  }
0xb: {  	s10 =	sor.u32 s14, s13;
	s13 =	sadd.s32 s13, s12;
	s7 =	sadd.s32 s7, s4  }
0xc: {  	s8 =	ssub.s32 s8, s31;
	s9 =	sadd.s32 s12, s5;
	s15 =	sadd.s32 s10, s12  }
0xd: {  	s13 =	sadd.s32 s14, s13;
	s14 =	simm.s32 $0x5;
	s4 =	sadd.s32 $0x82800, s7  }
0xe: {  	s5 =	smax.u32 s8, $0x1;
	s6 =	sadd.s32 $0x7C00, s9;
	s7 =	sadd.s32 $0x7D00, s9  }
0xf: {  	s8 =	sadd.s32 $0x7E00, s9;
	s9 =	sadd.s32 $0x7F00, s9;
	s10 =	sadd.s32 $0x300, s15  }
0x10: {  	s11 =	sadd.s32 $0x200, s15;
	s12 =	sadd.s32 $0x100, s15;
	s15 =	simm.s32 $0x80  }
.LBB2_1:
0x11: {  	[tilespmem:s3], [sflag:$0x5] =	stream.linear.gather [hbm4b:s4+s3], $0x4000, $0x38;
	[tilespmem:$0x6000] =	vst v63  }
0x12: {  	_ =	swait.ge [sflag:s14], $0x4000  }
0x13: {  	[sflag:s14] =	ssyncset.done $0x0  }
0x14: {  	[sflag:s14] =	ssyncadd.s32 $0xFFFFC000  }
0x15: {  	[tilespmem:s16], [sflag:$0x1] =	stream.indirect.gather [hbm4b:s2+s15], $0x10, s3, s15, $0xb8;
	[tilespmem:$0x6000] =	vst v63  }
0x16: {  	_ = 	snop  }
0x17: {  	[tilespmem:s17], [sflag:$0x2] =	stream.indirect.gather [hbm4b:s2+s15], $0x10, s15, s15, $0xb8;
	[tilespmem:$0x6000] =	vst v63  }
0x18: {  	_ = 	snop  }
0x19: {  	[tilespmem:s19], [sflag:$0x3] =	stream.indirect.gather [hbm4b:s2+s15], $0x10, s18, s15, $0xb8;
	[tilespmem:$0x6000] =	vst v63  }
0x1a: {  	_ = 	snop  }
0x1b: {  	[tilespmem:s21], [sflag:$0x4] =	stream.indirect.gather [hbm4b:s2+s15], $0x10, s20, s15, $0xb8;
	[tilespmem:$0x6000] =	vst v63  }
0x1c: {  	_ =	swait.ge [sflag:s22], $0x800  }
0x1d: {  	[sflag:s22] =	ssyncset.done $0x0  }
0x1e: {  	s28 =	sadd.s32 $0x0, s13;
	[sflag:s22] =	ssyncadd.s32 $0xFFFFF800  }
0x1f: {  	[hbm4b:s28+s3] =	stream.linear.scatter [tilespmem:s16], [sflag:$0x5], $0x800, $0x38;
	[tilespmem:$0x6000] =	vst v63  }
0x20: {  	_ =	swait.ge [sflag:s14], $0x800  }
0x21: {  	[sflag:s14] =	ssyncset.done $0x0  }
0x22: {  	s28 =	simm.s32 $0x200;
	[sflag:s14] =	ssyncadd.s32 $0xFFFFF800  }
0x23: {  	[tilespmem:s16], [sflag:$0x1] =	stream.indirect.gather [hbm4b:s2+s15], $0x10, s28, s15, $0xb8;
	[tilespmem:$0x6000] =	vst v63  }
0x24: {  	_ =	swait.ge [sflag:s23], $0x800  }
0x25: {  	[sflag:s23] =	ssyncset.done $0x0  }
0x26: {  	s28 =	sadd.s32 $0x0, s12;
	[sflag:s23] =	ssyncadd.s32 $0xFFFFF800  }
0x27: {  	[hbm4b:s28+s3] =	stream.linear.scatter [tilespmem:s17], [sflag:$0x5], $0x800, $0x38;
	[tilespmem:$0x6000] =	vst v63  }
0x28: {  	_ =	swait.ge [sflag:s14], $0x800  }
0x29: {  	[sflag:s14] =	ssyncset.done $0x0  }
0x2a: {  	s28 =	simm.s32 $0x280;
	[sflag:s14] =	ssyncadd.s32 $0xFFFFF800  }
0x2b: {  	[tilespmem:s17], [sflag:$0x2] =	stream.indirect.gather [hbm4b:s2+s15], $0x10, s28, s15, $0xb8;
	[tilespmem:$0x6000] =	vst v63  }
0x2c: {  	_ =	swait.ge [sflag:s24], $0x800  }
0x2d: {  	[sflag:s24] =	ssyncset.done $0x0  }
0x2e: {  	s28 =	sadd.s32 $0x0, s11;
	[sflag:s24] =	ssyncadd.s32 $0xFFFFF800  }
0x2f: {  	[hbm4b:s28+s3] =	stream.linear.scatter [tilespmem:s19], [sflag:$0x5], $0x800, $0x38;
	[tilespmem:$0x6000] =	vst v63  }
0x30: {  	_ =	swait.ge [sflag:s14], $0x800  }
0x31: {  	[sflag:s14] =	ssyncset.done $0x0  }
0x32: {  	s28 =	simm.s32 $0x300;
	[sflag:s14] =	ssyncadd.s32 $0xFFFFF800  }
0x33: {  	[tilespmem:s19], [sflag:$0x3] =	stream.indirect.gather [hbm4b:s2+s15], $0x10, s28, s15, $0xb8;
	[tilespmem:$0x6000] =	vst v63  }
0x34: {  	_ =	swait.ge [sflag:s25], $0x800  }
0x35: {  	[sflag:s25] =	ssyncset.done $0x0  }
0x36: {  	s28 =	sadd.s32 $0x0, s10;
	[sflag:s25] =	ssyncadd.s32 $0xFFFFF800  }
0x37: {  	[hbm4b:s28+s3] =	stream.linear.scatter [tilespmem:s21], [sflag:$0x5], $0x800, $0x38;
	[tilespmem:$0x6000] =	vst v63  }
0x38: {  	_ =	swait.ge [sflag:s14], $0x800  }
0x39: {  	s29 =	simm.s32 $0x400;
	[sflag:s14] =	ssyncset.done $0x0  }
0x3a: {  	s30 =	simm.s32 $0x580;
	s28 =	simm.s32 $0x380;
	[sflag:s14] =	ssyncadd.s32 $0xFFFFF800  }
.LBB2_2:
0x3b: {  	[tilespmem:s21], [sflag:$0x4] =	stream.indirect.gather [hbm4b:s2+s15], $0x10, s28, s15, $0xb8;
	[tilespmem:$0x6000] =	vst v63  }
0x3c: {  	s31 =	smov.u32 s29;
	s28 =	smov.u32 s30  }
0x3d: {  	p0 =	sne.s32 s29, $0x7800;
	s29 =	sadd.s32 $0x400, s29;
	_ =	swait.ge [sflag:s22], $0x800  }
0x3e: {  	[sflag:s22] =	ssyncset.done $0x0  }
0x3f: {  	s1 =	sadd.s32 s31, s13;
	[sflag:s22] =	ssyncadd.s32 $0xFFFFF800  }
0x40: {  	[hbm4b:s1+s3] =	stream.linear.scatter [tilespmem:s16], [sflag:$0x5], $0x800, $0x38;
	[tilespmem:$0x6000] =	vst v63  }
0x41: {  	_ =	swait.ge [sflag:s14], $0x800  }
0x42: {  	[sflag:s14] =	ssyncset.done $0x0  }
0x43: {  	s1 =	sadd.s32 $0xFFFFFE80, s30;
	[sflag:s14] =	ssyncadd.s32 $0xFFFFF800  }
0x44: {  	[tilespmem:s16], [sflag:$0x1] =	stream.indirect.gather [hbm4b:s2+s15], $0x10, s1, s15, $0xb8;
	[tilespmem:$0x6000] =	vst v63  }
0x45: {  	_ =	swait.ge [sflag:s23], $0x800  }
0x46: {  	[sflag:s23] =	ssyncset.done $0x0  }
0x47: {  	s1 =	sadd.s32 s31, s12;
	[sflag:s23] =	ssyncadd.s32 $0xFFFFF800  }
0x48: {  	[hbm4b:s1+s3] =	stream.linear.scatter [tilespmem:s17], [sflag:$0x5], $0x800, $0x38;
	[tilespmem:$0x6000] =	vst v63  }
0x49: {  	_ =	swait.ge [sflag:s14], $0x800  }
0x4a: {  	[sflag:s14] =	ssyncset.done $0x0  }
0x4b: {  	s1 =	sadd.s32 $0xFFFFFF00, s30;
	[sflag:s14] =	ssyncadd.s32 $0xFFFFF800  }
0x4c: {  	[tilespmem:s17], [sflag:$0x2] =	stream.indirect.gather [hbm4b:s2+s15], $0x10, s1, s15, $0xb8;
	[tilespmem:$0x6000] =	vst v63  }
0x4d: {  	_ =	swait.ge [sflag:s24], $0x800  }
0x4e: {  	[sflag:s24] =	ssyncset.done $0x0  }
0x4f: {  	s1 =	sadd.s32 s31, s11;
	[sflag:s24] =	ssyncadd.s32 $0xFFFFF800  }
0x50: {  	[hbm4b:s1+s3] =	stream.linear.scatter [tilespmem:s19], [sflag:$0x5], $0x800, $0x38;
	[tilespmem:$0x6000] =	vst v63  }
0x51: {  	_ =	swait.ge [sflag:s14], $0x800  }
0x52: {  	[sflag:s14] =	ssyncset.done $0x0  }
0x53: {  	s1 =	sadd.s32 $0xFFFFFF80, s30;
	[sflag:s14] =	ssyncadd.s32 $0xFFFFF800  }
0x54: {  	[tilespmem:s19], [sflag:$0x3] =	stream.indirect.gather [hbm4b:s2+s15], $0x10, s1, s15, $0xb8;
	[tilespmem:$0x6000] =	vst v63  }
0x55: {  	_ =	swait.ge [sflag:s25], $0x800  }
0x56: {  	[sflag:s25] =	ssyncset.done $0x0  }
.Ltmp0:
0x57: {  	s1 =	sadd.s32 s31, s10;
	[sflag:s25] =	ssyncadd.s32 $0xFFFFF800;
	(pc) =	sbr.rel @p0 .LBB2_2-.Ltmp0, $4  }
0x58: {  	[hbm4b:s1+s3] =	stream.linear.scatter [tilespmem:s21], [sflag:$0x5], $0x800, $0x38;
	[tilespmem:$0x6000] =	vst v63  }
0x59: {  	_ =	swait.ge [sflag:s14], $0x800  }
0x5a: {  	[sflag:s14] =	ssyncset.done $0x0  }
0x5b: {  	s30 =	sadd.s32 $0x200, s30;
	[sflag:s14] =	ssyncadd.s32 $0xFFFFF800  }
0x5c: {  	[tilespmem:s21], [sflag:$0x4] =	stream.indirect.gather [hbm4b:s2+s15], $0x10, s28, s15, $0xb8;
	[tilespmem:$0x6000] =	vst v63  }
0x5d: {  	_ =	swait.ge [sflag:s22], $0x800  }
0x5e: {  	[sflag:s22] =	ssyncset.done $0x0  }
0x5f: {  	[sflag:s22] =	ssyncadd.s32 $0xFFFFF800  }
0x60: {  	[hbm4b:s6+s3] =	stream.linear.scatter [tilespmem:s16], [sflag:$0x5], $0x800, $0x38;
	[tilespmem:$0x6000] =	vst v63  }
0x61: {  	_ =	swait.ge [sflag:s14], $0x800  }
0x62: {  	[sflag:s14] =	ssyncset.done $0x0  }
0x63: {  	[sflag:s14] =	ssyncadd.s32 $0xFFFFF800  }
0x64: {  	_ =	swait.ge [sflag:s23], $0x800  }
0x65: {  	[sflag:s23] =	ssyncset.done $0x0  }
0x66: {  	[sflag:s23] =	ssyncadd.s32 $0xFFFFF800  }
0x67: {  	[hbm4b:s7+s3] =	stream.linear.scatter [tilespmem:s17], [sflag:$0x5], $0x800, $0x38;
	[tilespmem:$0x6000] =	vst v63  }
0x68: {  	_ =	swait.ge [sflag:s14], $0x800  }
0x69: {  	[sflag:s14] =	ssyncset.done $0x0  }
0x6a: {  	[sflag:s14] =	ssyncadd.s32 $0xFFFFF800  }
0x6b: {  	_ =	swait.ge [sflag:s24], $0x800  }
0x6c: {  	[sflag:s24] =	ssyncset.done $0x0  }
0x6d: {  	[sflag:s24] =	ssyncadd.s32 $0xFFFFF800  }
0x6e: {  	[hbm4b:s8+s3] =	stream.linear.scatter [tilespmem:s19], [sflag:$0x5], $0x800, $0x38;
	[tilespmem:$0x6000] =	vst v63  }
0x6f: {  	_ =	swait.ge [sflag:s14], $0x800  }
0x70: {  	[sflag:s14] =	ssyncset.done $0x0  }
0x71: {  	[sflag:s14] =	ssyncadd.s32 $0xFFFFF800  }
0x72: {  	s26 =	sadd.s32 $0x1, s26;
	_ =	swait.ge [sflag:s25], $0x800  }
0x73: {  	p0 =	sne.s32 s26, s5;
	[sflag:s25] =	ssyncset.done $0x0  }
.Ltmp1:
0x74: {  	[sflag:s25] =	ssyncadd.s32 $0xFFFFF800;
	(pc) =	sbr.rel @p0 .LBB2_1-.Ltmp1, $4  }
0x75: {  	[hbm4b:s9+s3] =	stream.linear.scatter [tilespmem:s21], [sflag:$0x5], $0x800, $0x38;
	[tilespmem:$0x6000] =	vst v63  }
0x76: {  	_ =	swait.ge [sflag:s14], $0x800  }
0x77: {  	[sflag:s14] =	ssyncset.done $0x0  }
0x78: {  	[sflag:s14] =	ssyncadd.s32 $0xFFFFF800  }
0x79: {  	_ =	sfence.sel $0x180000  }
0x7a: {  	[bflag:$0x0] =	sbarrier.arrive $0xFFFF  }
0x7b: {  	_ =	strace $0x90000047  }
0x7c: {  	[bflag:$0x2] =	sbarrier.arrive $0xFFFF  }
0x7d: {  	p0 =	sne.s32 s0, $0x0;
	s0 =	rddreg [dreg:$0x2]  }
0x7e: {  	s0 =	sadd.s32 @!p0 $0x100000, s0  }
0x7f: {  	[sflag:s0] =	ssyncadd.tile.s32 @!p0 $0x1;
	_ =	shalt  }
.Lfunc_end2:
_tile_overlayer_lowered:
.L_overlay_start_2:
0x80: {  	(tag) =	ssettag $0x2  }
0x81: {  	s0 =	rddreg [dreg:$0x0];
	s2 =	stileid.u32  }
0x82: {  	s1 =	rddreg [dreg:$0x1];
	p0 =	sne.s32 s2, $0x0  }
0x83: {  	s3 =	rddreg [dreg:$0x2];
	[bflag:$0x3] =	sbarrier.arrive $0xFFFF;
	s2 =	simm.s32 @!p0 $0x1C05  }
0x84: {  	[timem:s3], [sflag:s2] =	dma.local @!p0 [hbm:s0], s1  }
0x85: {  	s0 =	simm.s32 @!p0 $0x5  }
0x86: {  	_ =	swait.ge @!p0 [sflag:s0], s1  }
0x87: {  	s1 =	ssub.s32 @!p0 $0x0, s1;
	[sflag:s0] =	ssyncset.done @!p0 $0x0  }
0x88: {  	[sflag:s0] =	ssyncadd.s32 @!p0 s1  }
0x89: {  	[bflag:$0x3] =	sbarrier.arrive $0xFFFF  }
0x8a: {  	_ =	shalt  }

// kernel: kernel.15.cloned.1.call-start
scs
__scs_entry_jumppad:
0x0: {  	(pc) =	sbr.rel $0x88, $3  }
0x1: {  	(tag) =	ssettag $0x0;
	lr =	simm.s32 $0x1  }
0x2: {  	[smem:$0x3F98] =	sst lr;
	_ =	strace $0xD0000000  }
0x3: {  	_ = 	snop  }
0x4: {  	_ = 	snop  }
0x5: {  	_ = 	snop  }
0x6: {  	_ = 	snop  }
0x7: {  	_ = 	snop  }
__scs_overlays_trampoline_lowered:
0x8: {  	[smem:$0x3FA7] =	sst s0  }
0x9: {  	[smem:$0x3FA8] =	sst s1  }
0xa: {  	[smem:$0x3FA9] =	sst s2  }
0xb: {  	[smem:$0x3FAA] =	sst s3  }
0xc: {  	[smem:$0x3FAB] =	sst s4  }
0xd: {  	[smem:$0x3FAC] =	sst s5  }
0xe: {  	[smem:$0x3FAD] =	sst s6  }
0xf: {  	[smem:$0x3FAE] =	sst s7  }
0x10: {  	[smem:$0x3FAF] =	sst s8  }
0x11: {  	[smem:$0x3FB0] =	sst s9;
	s0 =	simm.s32 @!p0 $0x0  }
0x12: {  	s1 =	sld [smem:$0x3F96];
	s0 =	simm.s32 @p0 $0x1  }
0x13: {  	[smem:$0x3FB1] =	sst s0;
	s0 =	simm.s32 @!p1 $0x0  }
0x14: {  	s2 =	sld [smem:$0x3F95];
	s0 =	simm.s32 @p1 $0x1  }
0x15: {  	[smem:$0x3FB2] =	sst s0;
	s0 =	simm.s32 @!p2 $0x0  }
0x16: {  	s3 =	sld [smem:$0x3FDB];
	s0 =	simm.s32 @p2 $0x1  }
0x17: {  	s4 =	simm.s32 $0x1BF5;
	[smem:$0x3FB4] =	sst s0  }
0x18: {  	s0 =	sld [smem:$0x3F97];
	_ =	swait.ge [sflag:s4], $0x0  }
0x19: {  	s7 =	sld [smem:$0x3F98]  }
0x1a: {  	s8 =	sadd.s32 $0xFFFFE003, lr  }
0x1b: {  	s9 =	sadd.s32 $0xFFFFFEF7, lr;
	s5 =	simm.s32 $0xFFFFFFFF;
	p2 =	slt.u32 s8, $0xFFFFF086  }
0x1c: {  	p1 =	slt.u32 s9, $0xF7A;
	s5 =	simm.s32 @!p2 $0x0  }
0x1d: {  	s5 =	simm.s32 @p1 $0x1;
	p0 =	seq.s32 s7, s2  }
0x1e: {  	s7 =	smul.u32 @!p0 $0xF7A, s2;
	p2 =	seq.s32 @!p0 s5, $0x0  }
0x1f: {  	s9 =	smul.u32 $0xF7A, s1;
	s8 =	simm.s32 @!p0 $0x1BF5;
	p2 =	por !p2, p0  }
0x20: {  	[sflag:s8] =	ssyncset.s32 @!p0 $0xFFFFF086;
	s6 =	sadd.s32 @!p0 s3, s7;
	s7 =	simm.s32 @!p0 $0x108  }
0x21: {  	s3 =	sadd.s32 s3, s9;
	s6 =	sadd.s32 @!p0 $0x88, s6;
	s7 =	simm.s32 @p2 $0x1082  }
0x22: {  	[simem:s7], [sflag:s8] =	dma.local @!p0 [hbm:s6], $0xF7A  }
0x23: {  	s9 =	sor.u32 $0xD0000000, s2;
	s6 =	simm.s32 $0x108;
	_ =	swait.ge @!p0 [sflag:s8], $0x0  }
0x24: {  	s3 =	sadd.s32 $0x88, s3;
	s6 =	simm.s32 @!p1 $0x1082;
	[sflag:s4] =	ssyncset.s32 $0xFFFFF086  }
0x25: {  	[simem:s6], [sflag:s4] =	dma.local [hbm:s3], $0xF7A  }
0x26: {  	[smem:$0x3F98] =	sst s1;
	(tag) =	ssettag s2;
	_ =	strace s9  }
0x27: {  	s1 =	sld [smem:$0x3FA8]  }
0x28: {  	s2 =	sld [smem:$0x3FA9]  }
0x29: {  	s4 =	sld [smem:$0x3FAB]  }
0x2a: {  	p0 =	seq.s32 s5, $0x0;
	s5 =	sld [smem:$0x3FAC]  }
0x2b: {  	s6 =	sld [smem:$0x3FAD]  }
0x2c: {  	s7 =	sld [smem:$0x3FAE]  }
0x2d: {  	s3 =	simm.s32 $0x108;
	s8 =	sld [smem:$0x3FAF]  }
0x2e: {  	s3 =	simm.s32 @!p0 $0x1082;
	s9 =	sld [smem:$0x3FB0]  }
0x2f: {  	lr =	sadd.s32 s0, s3;
	s0 =	sld [smem:$0x3FA7]  }
0x30: {  	s3 =	sld [smem:$0x3FAA]  }
0x31: {  	[smem:$0x3FB3] =	sst s10  }
0x32: {  	s10 =	sld [smem:$0x3FB1];
	_ =	sdelay $0x3  }
0x33: {  	p0 =	seq.s32 s10, $0x1;
	s10 =	sld [smem:$0x3FB3];
	_ =	sdelay $0x3  }
0x34: {  	[smem:$0x3FB3] =	sst s10  }
0x35: {  	s10 =	sld [smem:$0x3FB2];
	_ =	sdelay $0x3  }
0x36: {  	p1 =	seq.s32 s10, $0x1;
	s10 =	sld [smem:$0x3FB3];
	_ =	sdelay $0x3  }
0x37: {  	[smem:$0x3FB3] =	sst s10  }
0x38: {  	s10 =	sld [smem:$0x3FB4]  }
0x39: {  	_ = 	snop;
	(pc) =	sbr.ind lr, $3  }
0x3a: {  	_ = 	snop  }
0x3b: {  	_ = 	snop  }
0x3c: {  	p2 =	seq.s32 s10, $0x1;
	s10 =	sld [smem:$0x3FB3]  }
0x3d: {  	_ =	shalt  }
0x3e: {  	_ =	shalt  }
0x3f: {  	_ =	shalt  }
0x40: {  	_ =	shalt  }
0x41: {  	_ =	shalt  }
0x42: {  	_ =	shalt  }
0x43: {  	_ =	shalt  }
0x44: {  	_ =	shalt  }
0x45: {  	_ =	shalt  }
0x46: {  	_ =	shalt  }
0x47: {  	_ =	shalt  }
0x48: {  	_ =	shalt  }
0x49: {  	_ =	shalt  }
0x4a: {  	_ =	shalt  }
0x4b: {  	_ =	shalt  }
0x4c: {  	_ =	shalt  }
0x4d: {  	_ =	shalt  }
0x4e: {  	_ =	shalt  }
0x4f: {  	_ =	shalt  }
0x50: {  	_ =	shalt  }
0x51: {  	_ =	shalt  }
0x52: {  	_ =	shalt  }
0x53: {  	_ =	shalt  }
0x54: {  	_ =	shalt  }
0x55: {  	_ =	shalt  }
0x56: {  	_ =	shalt  }
0x57: {  	_ =	shalt  }
0x58: {  	_ =	shalt  }
0x59: {  	_ =	shalt  }
0x5a: {  	_ =	shalt  }
0x5b: {  	_ =	shalt  }
0x5c: {  	_ =	shalt  }
0x5d: {  	_ =	shalt  }
0x5e: {  	_ =	shalt  }
0x5f: {  	_ =	shalt  }
0x60: {  	_ =	shalt  }
0x61: {  	_ =	shalt  }
0x62: {  	_ =	shalt  }
0x63: {  	_ =	shalt  }
0x64: {  	_ =	shalt  }
0x65: {  	_ =	shalt  }
0x66: {  	_ =	shalt  }
0x67: {  	_ =	shalt  }
0x68: {  	_ =	shalt  }
0x69: {  	_ =	shalt  }
0x6a: {  	_ =	shalt  }
0x6b: {  	_ =	shalt  }
0x6c: {  	_ =	shalt  }
0x6d: {  	_ =	shalt  }
0x6e: {  	_ =	shalt  }
0x6f: {  	_ =	shalt  }
0x70: {  	_ =	shalt  }
0x71: {  	_ =	shalt  }
0x72: {  	_ =	shalt  }
0x73: {  	_ =	shalt  }
0x74: {  	_ =	shalt  }
0x75: {  	_ =	shalt  }
0x76: {  	_ =	shalt  }
0x77: {  	_ =	shalt  }
0x78: {  	_ =	shalt  }
0x79: {  	_ =	shalt  }
0x7a: {  	_ =	shalt  }
0x7b: {  	_ =	shalt  }
0x7c: {  	_ =	shalt  }
0x7d: {  	_ =	shalt  }
0x7e: {  	_ =	shalt  }
0x7f: {  	_ =	shalt  }
0x80: {  	_ =	shalt  }
0x81: {  	_ =	shalt  }
0x82: {  	_ =	shalt  }
0x83: {  	_ =	shalt  }
0x84: {  	_ =	shalt  }
0x85: {  	_ =	shalt  }
0x86: {  	_ =	shalt  }
0x87: {  	_ =	shalt  }
.Lfunc_end0:
.L_simem_size_0:
called_computation.1_lowered:
.L_overlay_start_0:
0x88: {  	s2 =	sld [smem:$0x3FD9]  }
0x89: {  	s3 =	sld [smem:$0x3FFE];
	_ =	sdelay $0x1  }
0x8a: {  	s1 =	srdreg.scid  }
0x8b: {  	s0 =	sand.u32 $0x1, s1  }
0x8c: {  	s16 =	sshll.u32 s0, $0xA;
	s2 =	sadd.s32 s3, s2  }
0x8d: {  	s2 =	sadd.s32 s2, s16  }
0x8e: {  	[smem:$0x3FBF] =	sst s2  }
0x8f: {  	_ = 	snop  }
0x90: {  	(tm) =	ssettm $0x1  }
0x91: {  	s17 =	sld [smem:$0x3FFB];
	_ =	sdelay $0x3  }
0x92: {  	_ =	strace s17  }
0x93: {  	s2 =	sld [smem:$0x3FFC];
	_ =	sdelay $0x3  }
0x94: {  	_ =	strace s2  }
0x95: {  	s2 =	sld [smem:$0x3FFD];
	_ =	sdelay $0x3  }
0x96: {  	_ =	strace s2  }
0x97: {  	_ =	strace $0x8FFFFFFF  }
0x98: {  	s18 =	sld [smem:$0x3FDB];
	_ =	sdelay $0x1  }
0x99: {  	s19 =	simm.s32 $_scs_section_size  }
0x9a: {  	s4 =	simm.s32 $_size__tile_overlayer_lowered;
	s5 =	simm.s32 $_tile_overlayer_lowered  }
0x9b: {  	s22 =	simm.s32 $0x1BFF;
	s21 =	sshll.u32 s5, $0x1;
	s2 =	sadd.s32 s19, s18  }
0x9c: {  	s6 =	simm.s32 $0x0;
	s20 =	sshll.u32 s4, $0x1;
	s4 =	sadd.s32 s21, s2  }
0x9d: {  	[timem:s6], [sflag:s22] =	dma.local [hbm:s4], s20  }
0x9e: {  	_ =	swait.ge [sflag:s22], s20  }
0x9f: {  	s3 =	ssub.s32 $0x0, s20;
	[sflag:s22] =	ssyncset.done $0x0  }
0xa0: {  	[sflag:s22] =	ssyncadd.s32 s3;
	_ =	sdelay $0x1  }
0xa1: {  	s23 =	simm.s32 $0x1B8B  }
0xa2: {  	_ =	swait.ge [sflag:s23], $0x1  }
0xa3: {  	[sflag:s23] =	ssyncset.done $0x0  }
0xa4: {  	s25 =	simm.s32 $0x1B8E;
	s24 =	sld [smem:$0x3FFE];
	[sflag:s23] =	ssyncadd.s32 $0xFFFFFFFF  }
0xa5: {  	s26 =	simm.s32 $execute0_lowered;
	[smem:$0x3FD2] =	sst s25  }
0xa6: {  	s4 =	sshll.u32 s26, $0x1;
	_ =	strace $0x80000049;
	[dreg:$0x1] =	wrdreg $0xFFFFFFFF  }
0xa7: {  	s28 =	simm.s32 $_size_execute0_lowered;
	s2 =	sadd.s32 s2, s4;
	[dreg:$0x0] =	wrdreg $0x0  }
0xa8: {  	s4 =	sshll.u32 s28, $0x1;
	[dreg:$0x2] =	wrdreg s2  }
0xa9: {  	[dreg:$0x3] =	wrdreg s4  }
0xaa: {  	[dreg:$0x4] =	wrdreg $0xC0  }
0xab: {  	_ =	task [dreg:s6], $0x5FFFF  }
0xac: {  	[dreg:$0x1] =	wrdreg $0xFFFFFFFF  }
0xad: {  	[dreg:$0x0] =	wrdreg $0x60  }
0xae: {  	[dreg:$0x2] =	wrdreg s24  }
0xaf: {  	[dreg:$0x3] =	wrdreg $0x9  }
0xb0: {  	_ =	task.clear_ibuf [dreg:s6], $0x4FFFF;
	_ =	strace $0x90000049  }
0xb1: {  	s29 =	simm.s32 $0x9;
	_ =	strace $0x8000004B  }
0xb2: {  	_ =	swait.ge [sflag:s29], $0x1  }
0xb3: {  	[sflag:s29] =	ssyncadd.s32 $0xFFFFFFFF  }
0xb4: {  	_ =	strace $0x9000004B  }
0xb5: {  	_ =	sfence  }
0xb6: {  	s30 =	sld [smem:$0x0];
	_ =	sdelay $0x2  }
0xb7: {  	s31 =	sshll.u32 s1, $0xD;
	s1 =	sshrl.u32 s1, $0x2  }
0xb8: {  	s3 =	sand.u32 $0x4000, s31;
	s1 =	sadd.s32 s1, s30  }
0xb9: {  	s0 =	sor.u32 s3, s0;
	s1 =	sshll.u32 s1, $0x11  }
0xba: {  	s0 =	sor.u32 s1, s0  }
0xbb: {  	s0 =	sadd.s32 $0x8F2B, s0  }
0xbc: {  	[sflag:s0] =	ssyncadd.remote.s32 $0x1  }
0xbd: {  	_ =	sfence.sel $0xFFFF  }
0xbe: {  	[dreg:$0x0] =	wrdreg $0xFFFFFFFF;
	(pc) =	sbr.abs _section_cstart, $3  }
0xbf: {  	[dreg:$0x1] =	wrdreg $0xFFFFFFFF  }
0xc0: {  	_ =	task.clear_ibuf [dreg:s6], $0x2FFFF;
	_ =	strace $0x9FFFFFFF  }
0xc1: {  	(tm) =	ssettm $0x7FFFFFFF  }
tec
execute0_lowered:
.L_overlay_start_1:
0x0: {  	(tag) =	ssettag $0x1  }
0x1: {  	s1 =	srdreg.scid;
	s0 =	stileid.u32  }
0x2: {  	s29 =	sand.u32 $0x1, s1;
	s31 =	sshll.u32 s0, $0x1  }
0x3: {  	s14 =	rddreg [dreg:$0x0];
	s9 =	sor.u32 s29, s31  }
0x4: {  	s2 =	simm.s32 $0x0;
	s1 =	rddreg [dreg:$0x1];
	s3 =	sshll.u32 s9, $0x7  }
0x5: {  	[smem:$0x7FF] =	sst s2;
	s3 =	sadd.s32 s3, s14  }
0x6: {  	_ =	strace $0x8000004A;
	s4 =	sadd.s32 $0xA800, s3;
	s3 =	simm.s32 $0x5  }
0x7: {  	[tilespmem:s2], [sflag:$0x5] =	stream.linear.gather [hbm4b:s4+s2], $0x400, $0x38;
	[tilespmem:$0x12400] =	vst v63  }
0x8: {  	_ =	swait.ge [sflag:s3], $0x400  }
0x9: {  	s6 =	simm.s32 $0x80;
	[sflag:s3] =	ssyncset.done $0x0  }
0xa: {  	s7 =	simm.s32 $0x400;
	s5 =	sadd.s32 $0x8B800, s14;
	[sflag:s3] =	ssyncadd.s32 $0xFFFFFC00  }
0xb: {  	[tilespmem:s7], [sflag:$0x1] =	stream.indirect.gather [hbm4b:s5+s6], $0x90, s2, s6, $0xb8;
	[tilespmem:$0x12400] =	vst v63  }
0xc: {  	s8 =	simm.s32 $0x4C00  }
0xd: {  	[tilespmem:s8], [sflag:$0x2] =	stream.indirect.gather [hbm4b:s5+s6], $0x90, s6, s6, $0xb8;
	[tilespmem:$0x12400] =	vst v63  }
0xe: {  	s10 =	simm.s32 $0x9400;
	s15 =	smul.u32 $0x4800, s9;
	s9 =	simm.s32 $0x100  }
0xf: {  	[tilespmem:s10], [sflag:$0x3] =	stream.indirect.gather [hbm4b:s5+s6], $0x90, s9, s6, $0xb8;
	[tilespmem:$0x12400] =	vst v63  }
0x10: {  	s11 =	simm.s32 $0x180;
	s12 =	simm.s32 $0xDC00;
	s13 =	simm.s32 $0x1  }
0x11: {  	[tilespmem:s12], [sflag:$0x4] =	stream.indirect.gather [hbm4b:s5+s6], $0x90, s11, s6, $0xb8;
	[tilespmem:$0x12400] =	vst v63  }
0x12: {  	_ =	swait.ge [sflag:s13], $0x4800  }
0x13: {  	s30 =	sadd.s32 s15, s14;
	[sflag:s13] =	ssyncset.done $0x0  }
0x14: {  	s14 =	sadd.s32 $0xD3800, s30;
	[sflag:s13] =	ssyncadd.s32 $0xFFFFB800  }
0x15: {  	[hbm4b:s14+s2] =	stream.linear.scatter [tilespmem:s7], [sflag:$0x5], $0x4800, $0x38;
	[tilespmem:$0x12400] =	vst v63  }
0x16: {  	_ =	swait.ge [sflag:s3], $0x4800  }
0x17: {  	[sflag:s3] =	ssyncset.done $0x0  }
0x18: {  	s16 =	simm.s32 $0x2;
	s15 =	simm.s32 $0x200;
	[sflag:s3] =	ssyncadd.s32 $0xFFFFB800  }
0x19: {  	[tilespmem:s7], [sflag:$0x1] =	stream.indirect.gather [hbm4b:s5+s6], $0x90, s15, s6, $0xb8;
	[tilespmem:$0x12400] =	vst v63  }
0x1a: {  	_ =	swait.ge [sflag:s16], $0x4800  }
0x1b: {  	[sflag:s16] =	ssyncset.done $0x0  }
0x1c: {  	s17 =	sadd.s32 $0xD4100, s30;
	[sflag:s16] =	ssyncadd.s32 $0xFFFFB800  }
0x1d: {  	[hbm4b:s17+s2] =	stream.linear.scatter [tilespmem:s8], [sflag:$0x5], $0x4800, $0x38;
	[tilespmem:$0x12400] =	vst v63  }
0x1e: {  	_ =	swait.ge [sflag:s3], $0x4800  }
0x1f: {  	[sflag:s3] =	ssyncset.done $0x0  }
0x20: {  	s18 =	simm.s32 $0x280;
	s19 =	simm.s32 $0x3;
	[sflag:s3] =	ssyncadd.s32 $0xFFFFB800  }
0x21: {  	[tilespmem:s8], [sflag:$0x2] =	stream.indirect.gather [hbm4b:s5+s6], $0x90, s18, s6, $0xb8;
	[tilespmem:$0x12400] =	vst v63  }
0x22: {  	_ =	swait.ge [sflag:s19], $0x4800  }
0x23: {  	[sflag:s19] =	ssyncset.done $0x0  }
0x24: {  	s20 =	sadd.s32 $0xD4A00, s30;
	[sflag:s19] =	ssyncadd.s32 $0xFFFFB800  }
0x25: {  	[hbm4b:s20+s2] =	stream.linear.scatter [tilespmem:s10], [sflag:$0x5], $0x4800, $0x38;
	[tilespmem:$0x12400] =	vst v63  }
0x26: {  	_ =	swait.ge [sflag:s3], $0x4800  }
0x27: {  	[sflag:s3] =	ssyncset.done $0x0  }
0x28: {  	s21 =	simm.s32 $0x300;
	s22 =	simm.s32 $0x4;
	[sflag:s3] =	ssyncadd.s32 $0xFFFFB800  }
0x29: {  	[tilespmem:s10], [sflag:$0x3] =	stream.indirect.gather [hbm4b:s5+s6], $0x90, s21, s6, $0xb8;
	[tilespmem:$0x12400] =	vst v63  }
0x2a: {  	_ =	swait.ge [sflag:s22], $0x4800  }
0x2b: {  	[sflag:s22] =	ssyncset.done $0x0  }
0x2c: {  	s23 =	sadd.s32 $0xD5300, s30;
	[sflag:s22] =	ssyncadd.s32 $0xFFFFB800  }
0x2d: {  	[hbm4b:s23+s2] =	stream.linear.scatter [tilespmem:s12], [sflag:$0x5], $0x4800, $0x38;
	[tilespmem:$0x12400] =	vst v63  }
0x2e: {  	_ =	swait.ge [sflag:s3], $0x4800  }
0x2f: {  	[sflag:s3] =	ssyncset.done $0x0  }
0x30: {  	s24 =	simm.s32 $0x380;
	[sflag:s3] =	ssyncadd.s32 $0xFFFFB800  }
0x31: {  	[tilespmem:s12], [sflag:$0x4] =	stream.indirect.gather [hbm4b:s5+s6], $0x90, s24, s6, $0xb8;
	[tilespmem:$0x12400] =	vst v63  }
0x32: {  	_ =	swait.ge [sflag:s13], $0x4800  }
0x33: {  	[sflag:s13] =	ssyncset.done $0x0  }
0x34: {  	s25 =	sadd.s32 $0xD5C00, s30;
	[sflag:s13] =	ssyncadd.s32 $0xFFFFB800  }
0x35: {  	[hbm4b:s25+s2] =	stream.linear.scatter [tilespmem:s7], [sflag:$0x5], $0x4800, $0x38;
	[tilespmem:$0x12400] =	vst v63  }
0x36: {  	_ =	swait.ge [sflag:s3], $0x4800  }
0x37: {  	[sflag:s3] =	ssyncset.done $0x0  }
0x38: {  	[sflag:s3] =	ssyncadd.s32 $0xFFFFB800  }
0x39: {  	_ =	swait.ge [sflag:s16], $0x4800  }
0x3a: {  	[sflag:s16] =	ssyncset.done $0x0  }
0x3b: {  	s26 =	sadd.s32 $0xD6500, s30;
	[sflag:s16] =	ssyncadd.s32 $0xFFFFB800  }
0x3c: {  	[hbm4b:s26+s2] =	stream.linear.scatter [tilespmem:s8], [sflag:$0x5], $0x4800, $0x38;
	[tilespmem:$0x12400] =	vst v63  }
0x3d: {  	_ =	swait.ge [sflag:s3], $0x4800  }
0x3e: {  	[sflag:s3] =	ssyncset.done $0x0  }
0x3f: {  	[sflag:s3] =	ssyncadd.s32 $0xFFFFB800  }
0x40: {  	_ =	swait.ge [sflag:s19], $0x4800  }
0x41: {  	[sflag:s19] =	ssyncset.done $0x0  }
0x42: {  	s29 =	ssub.s32 $0x2, s29;
	s28 =	sadd.s32 $0xD6E00, s30;
	[sflag:s19] =	ssyncadd.s32 $0xFFFFB800  }
0x43: {  	[hbm4b:s28+s2] =	stream.linear.scatter [tilespmem:s10], [sflag:$0x5], $0x4800, $0x38;
	[tilespmem:$0x12400] =	vst v63  }
0x44: {  	s31 =	sshrl.u32 s29, $0x1;
	_ =	swait.ge [sflag:s3], $0x4800  }
0x45: {  	s29 =	ssub.s32 s29, s31;
	[sflag:s3] =	ssyncset.done $0x0  }
0x46: {  	s31 =	smax.u32 s29, $0x1;
	[sflag:s3] =	ssyncadd.s32 $0xFFFFB800  }
0x47: {  	p0 =	sne.s32 s31, $0x1;
	_ =	swait.ge [sflag:s22], $0x4800  }
.Ltmp0:
0x48: {  	[sflag:s22] =	ssyncset.done $0x0;
	(pc) =	sbr.rel @!p0 .LBB2_2-.Ltmp0, $4  }
0x49: {  	s29 =	sadd.s32 $0xD7700, s30;
	[sflag:s22] =	ssyncadd.s32 $0xFFFFB800  }
0x4a: {  	[hbm4b:s29+s2] =	stream.linear.scatter [tilespmem:s12], [sflag:$0x5], $0x4800, $0x38;
	[tilespmem:$0x12400] =	vst v63  }
0x4b: {  	_ =	swait.ge [sflag:s3], $0x4800  }
0x4c: {  	s30 =	sadd.s32 $0xFFFFFFFF, s31;
	[sflag:s3] =	ssyncset.done $0x0  }
.LBB2_1:
0x4d: {  	p0 =	sne.s32 s30, $0x1;
	s30 =	sadd.s32 $0xFFFFFFFF, s30;
	[sflag:s3] =	ssyncadd.s32 $0xFFFFB800  }
0x4e: {  	[tilespmem:s2], [sflag:$0x5] =	stream.linear.gather [hbm4b:s4+s2], $0x400, $0x38;
	[tilespmem:$0x12400] =	vst v63  }
0x4f: {  	_ =	swait.ge [sflag:s3], $0x400  }
0x50: {  	[sflag:s3] =	ssyncset.done $0x0  }
0x51: {  	[sflag:s3] =	ssyncadd.s32 $0xFFFFFC00  }
0x52: {  	[tilespmem:s7], [sflag:$0x1] =	stream.indirect.gather [hbm4b:s5+s6], $0x90, s2, s6, $0xb8;
	[tilespmem:$0x12400] =	vst v63  }
0x53: {  	_ = 	snop  }
0x54: {  	[tilespmem:s8], [sflag:$0x2] =	stream.indirect.gather [hbm4b:s5+s6], $0x90, s6, s6, $0xb8;
	[tilespmem:$0x12400] =	vst v63  }
0x55: {  	_ = 	snop  }
0x56: {  	[tilespmem:s10], [sflag:$0x3] =	stream.indirect.gather [hbm4b:s5+s6], $0x90, s9, s6, $0xb8;
	[tilespmem:$0x12400] =	vst v63  }
0x57: {  	_ = 	snop  }
0x58: {  	[tilespmem:s12], [sflag:$0x4] =	stream.indirect.gather [hbm4b:s5+s6], $0x90, s11, s6, $0xb8;
	[tilespmem:$0x12400] =	vst v63  }
0x59: {  	_ =	swait.ge [sflag:s13], $0x4800  }
0x5a: {  	[sflag:s13] =	ssyncset.done $0x0  }
0x5b: {  	[sflag:s13] =	ssyncadd.s32 $0xFFFFB800  }
0x5c: {  	[hbm4b:s14+s2] =	stream.linear.scatter [tilespmem:s7], [sflag:$0x5], $0x4800, $0x38;
	[tilespmem:$0x12400] =	vst v63  }
0x5d: {  	_ =	swait.ge [sflag:s3], $0x4800  }
0x5e: {  	[sflag:s3] =	ssyncset.done $0x0  }
0x5f: {  	[sflag:s3] =	ssyncadd.s32 $0xFFFFB800  }
0x60: {  	[tilespmem:s7], [sflag:$0x1] =	stream.indirect.gather [hbm4b:s5+s6], $0x90, s15, s6, $0xb8;
	[tilespmem:$0x12400] =	vst v63  }
0x61: {  	_ =	swait.ge [sflag:s16], $0x4800  }
0x62: {  	[sflag:s16] =	ssyncset.done $0x0  }
0x63: {  	[sflag:s16] =	ssyncadd.s32 $0xFFFFB800  }
0x64: {  	[hbm4b:s17+s2] =	stream.linear.scatter [tilespmem:s8], [sflag:$0x5], $0x4800, $0x38;
	[tilespmem:$0x12400] =	vst v63  }
0x65: {  	_ =	swait.ge [sflag:s3], $0x4800  }
0x66: {  	[sflag:s3] =	ssyncset.done $0x0  }
0x67: {  	[sflag:s3] =	ssyncadd.s32 $0xFFFFB800  }
0x68: {  	[tilespmem:s8], [sflag:$0x2] =	stream.indirect.gather [hbm4b:s5+s6], $0x90, s18, s6, $0xb8;
	[tilespmem:$0x12400] =	vst v63  }
0x69: {  	_ =	swait.ge [sflag:s19], $0x4800  }
0x6a: {  	[sflag:s19] =	ssyncset.done $0x0  }
0x6b: {  	[sflag:s19] =	ssyncadd.s32 $0xFFFFB800  }
0x6c: {  	[hbm4b:s20+s2] =	stream.linear.scatter [tilespmem:s10], [sflag:$0x5], $0x4800, $0x38;
	[tilespmem:$0x12400] =	vst v63  }
0x6d: {  	_ =	swait.ge [sflag:s3], $0x4800  }
0x6e: {  	[sflag:s3] =	ssyncset.done $0x0  }
0x6f: {  	[sflag:s3] =	ssyncadd.s32 $0xFFFFB800  }
0x70: {  	[tilespmem:s10], [sflag:$0x3] =	stream.indirect.gather [hbm4b:s5+s6], $0x90, s21, s6, $0xb8;
	[tilespmem:$0x12400] =	vst v63  }
0x71: {  	_ =	swait.ge [sflag:s22], $0x4800  }
0x72: {  	[sflag:s22] =	ssyncset.done $0x0  }
0x73: {  	[sflag:s22] =	ssyncadd.s32 $0xFFFFB800  }
0x74: {  	[hbm4b:s23+s2] =	stream.linear.scatter [tilespmem:s12], [sflag:$0x5], $0x4800, $0x38;
	[tilespmem:$0x12400] =	vst v63  }
0x75: {  	_ =	swait.ge [sflag:s3], $0x4800  }
0x76: {  	[sflag:s3] =	ssyncset.done $0x0  }
0x77: {  	[sflag:s3] =	ssyncadd.s32 $0xFFFFB800  }
0x78: {  	[tilespmem:s12], [sflag:$0x4] =	stream.indirect.gather [hbm4b:s5+s6], $0x90, s24, s6, $0xb8;
	[tilespmem:$0x12400] =	vst v63  }
0x79: {  	_ =	swait.ge [sflag:s13], $0x4800  }
0x7a: {  	[sflag:s13] =	ssyncset.done $0x0  }
0x7b: {  	[sflag:s13] =	ssyncadd.s32 $0xFFFFB800  }
0x7c: {  	[hbm4b:s25+s2] =	stream.linear.scatter [tilespmem:s7], [sflag:$0x5], $0x4800, $0x38;
	[tilespmem:$0x12400] =	vst v63  }
0x7d: {  	_ =	swait.ge [sflag:s3], $0x4800  }
0x7e: {  	[sflag:s3] =	ssyncset.done $0x0  }
0x7f: {  	[sflag:s3] =	ssyncadd.s32 $0xFFFFB800  }
0x80: {  	_ =	swait.ge [sflag:s16], $0x4800  }
0x81: {  	[sflag:s16] =	ssyncset.done $0x0  }
0x82: {  	[sflag:s16] =	ssyncadd.s32 $0xFFFFB800  }
0x83: {  	[hbm4b:s26+s2] =	stream.linear.scatter [tilespmem:s8], [sflag:$0x5], $0x4800, $0x38;
	[tilespmem:$0x12400] =	vst v63  }
0x84: {  	_ =	swait.ge [sflag:s3], $0x4800  }
0x85: {  	[sflag:s3] =	ssyncset.done $0x0  }
0x86: {  	[sflag:s3] =	ssyncadd.s32 $0xFFFFB800  }
0x87: {  	_ =	swait.ge [sflag:s19], $0x4800  }
0x88: {  	[sflag:s19] =	ssyncset.done $0x0  }
0x89: {  	[sflag:s19] =	ssyncadd.s32 $0xFFFFB800  }
0x8a: {  	[hbm4b:s28+s2] =	stream.linear.scatter [tilespmem:s10], [sflag:$0x5], $0x4800, $0x38;
	[tilespmem:$0x12400] =	vst v63  }
0x8b: {  	_ =	swait.ge [sflag:s3], $0x4800  }
0x8c: {  	[sflag:s3] =	ssyncset.done $0x0  }
0x8d: {  	[sflag:s3] =	ssyncadd.s32 $0xFFFFB800  }
0x8e: {  	_ =	swait.ge [sflag:s22], $0x4800  }
.Ltmp1:
0x8f: {  	[sflag:s22] =	ssyncset.done $0x0;
	(pc) =	sbr.rel @p0 .LBB2_1-.Ltmp1, $4  }
0x90: {  	[sflag:s22] =	ssyncadd.s32 $0xFFFFB800  }
0x91: {  	[hbm4b:s29+s2] =	stream.linear.scatter [tilespmem:s12], [sflag:$0x5], $0x4800, $0x38;
	[tilespmem:$0x12400] =	vst v63  }
0x92: {  	_ =	swait.ge [sflag:s3], $0x4800  }
0x93: {  	[sflag:s3] =	ssyncset.done $0x0  }
.LBB2_2:
0x94: {  	[sflag:s3] =	ssyncadd.s32 $0xFFFFB800  }
0x95: {  	_ =	sfence.sel $0x180000  }
0x96: {  	[bflag:$0x0] =	sbarrier.arrive $0xFFFF  }
0x97: {  	p0 =	sne.s32 s0, $0x0;
	_ =	strace $0x9000004A  }
0x98: {  	s0 =	sadd.s32 @!p0 $0x100000, s1;
	[bflag:$0x2] =	sbarrier.arrive $0xFFFF  }
0x99: {  	[sflag:s0] =	ssyncadd.tile.s32 @!p0 $0x1;
	_ =	shalt  }
.Lfunc_end2:
_tile_overlayer_lowered:
.L_overlay_start_2:
0x9a: {  	(tag) =	ssettag $0x2  }
0x9b: {  	s0 =	rddreg [dreg:$0x0];
	s2 =	stileid.u32  }
0x9c: {  	s1 =	rddreg [dreg:$0x1];
	p0 =	sne.s32 s2, $0x0  }
0x9d: {  	s3 =	rddreg [dreg:$0x2];
	[bflag:$0x3] =	sbarrier.arrive $0xFFFF;
	s2 =	simm.s32 @!p0 $0x1C05  }
0x9e: {  	[timem:s3], [sflag:s2] =	dma.local @!p0 [hbm:s0], s1  }
0x9f: {  	s0 =	simm.s32 @!p0 $0x5  }
0xa0: {  	_ =	swait.ge @!p0 [sflag:s0], s1  }
0xa1: {  	s1 =	ssub.s32 @!p0 $0x0, s1;
	[sflag:s0] =	ssyncset.done @!p0 $0x0  }
0xa2: {  	[sflag:s0] =	ssyncadd.s32 @!p0 s1  }
0xa3: {  	[bflag:$0x3] =	sbarrier.arrive $0xFFFF  }
0xa4: {  	_ =	shalt  }

</sc_bundles>
